<compile_context>
chip_gen: v7x
topology: tpu7x:2x2x1
jax: 0.10.2.dev20260603
libtpu: 0.0.44.dev20260713+nightly
codegen_flags: <defaults>
</compile_context>

<pallas_src>
import functools

import jax
import jax.numpy as jnp
from jax import lax
from jax.experimental import pallas as pl
from jax.experimental.pallas import tpu as pltpu
from jax.experimental.pallas import tpu_sc as plsc

TOPK = 2
F32 = jnp.float32
HIGH = jax.lax.Precision.HIGHEST
SC_CORES = 2
SC_SUBCORES = 16


def _router_body(cap, x_ref, rw_ref, rb_ref, nw_ref, nb_ref, g_ref,
                 mi_ref, mf_ref):
    n, e = g_ref.shape
    xx = x_ref[...]
    lg = jax.lax.dot_general(xx, rw_ref[...], (((1,), (0,)), ((), ())),
                             preferred_element_type=F32)
    lg = lg + rb_ref[...]
    nl = jax.lax.dot_general(xx, nw_ref[...], (((1,), (0,)), ((), ())),
                             preferred_element_type=F32)
    nl = nl + nb_ref[...]
    sp = jnp.maximum(nl, 0.0) + jnp.log1p(jnp.exp(-jnp.abs(nl)))
    nz = lg + g_ref[...] * sp

    ioe = jax.lax.broadcasted_iota(jnp.int32, (n, e), 1).astype(F32)
    v1 = jnp.max(nz, axis=1, keepdims=True)
    a1 = jnp.min(jnp.where(nz == v1, ioe, float(e)), axis=1, keepdims=True)
    nz2 = jnp.where(ioe == a1, -jnp.inf, nz)
    v2 = jnp.max(nz2, axis=1, keepdims=True)
    a2 = jnp.min(jnp.where(nz2 == v2, ioe, float(e)), axis=1, keepdims=True)
    g1 = 1.0 / (1.0 + jnp.exp(v2 - v1))
    g2 = 1.0 / (1.0 + jnp.exp(v1 - v2))

    mask = jnp.logical_or(ioe == a1, ioe == a2).astype(F32)
    blk = 128
    r_i = jax.lax.broadcasted_iota(jnp.int32, (blk, blk), 0).astype(F32)
    c_i = jax.lax.broadcasted_iota(jnp.int32, (blk, blk), 1).astype(F32)
    ltri = (c_i < r_i).astype(F32)
    chunks = []
    carry = jnp.zeros((1, e), F32)
    for b in range(n // blk):
        mblk = mask[b * blk:(b + 1) * blk, :]
        ex = jax.lax.dot_general(ltri, mblk, (((1,), (0,)), ((), ())),
                                 preferred_element_type=F32, precision=HIGH)
        chunks.append(ex + carry)
        carry = carry + jnp.sum(mblk, axis=0, keepdims=True)
    pos = jnp.concatenate(chunks, axis=0)

    p1 = jnp.max(jnp.where(ioe == a1, pos, -1.0), axis=1, keepdims=True)
    p2 = jnp.max(jnp.where(ioe == a2, pos, -1.0), axis=1, keepdims=True)
    capf = float(cap)
    s1 = jnp.where(p1 < capf, a1 * capf + p1, float(e) * capf)
    s2 = jnp.where(p2 < capf, a2 * capf + p2, float(e) * capf)
    c1 = a1 * capf + jnp.minimum(p1, capf - 1.0)
    c2 = a2 * capf + jnp.minimum(p2, capf - 1.0)
    ge1 = jnp.where(p1 < capf, g1, 0.0)
    ge2 = jnp.where(p2 < capf, g2, 0.0)

    lane = jax.lax.broadcasted_iota(jnp.int32, mi_ref.shape, 1)
    mi = jnp.where(lane == 0, s1, jnp.where(lane == 1, s2,
                                            jnp.where(lane == 2, c1, c2)))
    mi_ref[...] = mi.astype(jnp.int32)
    mf_ref[...] = jnp.where(lane < 16, ge1, jnp.where(lane < 32, ge2, 0.0))


def _router(x2, rw, rb, nw, nb, gauss, cap):
    n = x2.shape[0]
    return pl.pallas_call(
        functools.partial(_router_body, cap),
        out_shape=(jax.ShapeDtypeStruct((n, 128), jnp.int32),
                   jax.ShapeDtypeStruct((n, 128), F32)),
    )(x2, rw, rb.reshape(1, -1), nw, nb.reshape(1, -1), gauss)


def _dispatch_sc(x2, s1, s2, nslots):
    n, c = x2.shape
    nw = SC_CORES * SC_SUBCORES
    tpw = n // nw
    mesh = plsc.VectorSubcoreMesh(core_axis_name="c", subcore_axis_name="s",
                                  num_cores=SC_CORES,
                                  num_subcores=SC_SUBCORES)

    @functools.partial(
        pl.kernel, mesh=mesh,
        out_type=jax.ShapeDtypeStruct((nslots, c), F32),
        scratch_types=[
            pltpu.VMEM((tpw,), jnp.int32),
            pltpu.VMEM((tpw,), jnp.int32),
            pltpu.VMEM((tpw, c), F32),
            pltpu.SemaphoreType.DMA,
        ],
    )
    def disp(x_hbm, s1_hbm, s2_hbm, xg_hbm, i1_v, i2_v, rows_v, sem):
        wid = lax.axis_index("s") * SC_CORES + lax.axis_index("c")
        base = wid * tpw
        pltpu.sync_copy(s1_hbm.at[pl.ds(base, tpw)], i1_v)
        pltpu.sync_copy(s2_hbm.at[pl.ds(base, tpw)], i2_v)
        pltpu.sync_copy(x_hbm.at[pl.ds(base, tpw)], rows_v)
        cp1 = pltpu.async_copy(rows_v, xg_hbm.at[i1_v], sem)
        cp2 = pltpu.async_copy(rows_v, xg_hbm.at[i2_v], sem)
        cp1.wait()
        cp2.wait()

    return disp(x2, s1, s2)


def _ffn_body(nhb, xg_ref, w1_ref, b1_ref, w2_ref, b2_ref, eo_ref, acc_ref):
    hb = pl.program_id(1)
    h = jax.lax.dot_general(xg_ref[...], w1_ref[0], (((1,), (0,)), ((), ())),
                            preferred_element_type=F32)
    h = jnp.maximum(h + b1_ref[0], 0.0)
    part = jax.lax.dot_general(h, w2_ref[0], (((1,), (0,)), ((), ())),
                               preferred_element_type=F32)

    @pl.when(hb == 0)
    def _():
        acc_ref[...] = part

    @pl.when(hb > 0)
    def _():
        acc_ref[...] = acc_ref[...] + part

    @pl.when(hb == nhb - 1)
    def _():
        eo_ref[...] = acc_ref[...] + b2_ref[0]


def _ffn(xg, w1, b1, w2, b2, cap):
    ne, c, hid = w1.shape
    hblk = 1024
    nhb = hid // hblk
    return pl.pallas_call(
        functools.partial(_ffn_body, nhb),
        grid=(ne, nhb),
        in_specs=[
            pl.BlockSpec((cap, c), lambda e, hb: (e, 0)),
            pl.BlockSpec((1, c, hblk), lambda e, hb: (e, 0, hb)),
            pl.BlockSpec((1, 1, hblk), lambda e, hb: (e, 0, hb)),
            pl.BlockSpec((1, hblk, c), lambda e, hb: (e, hb, 0)),
            pl.BlockSpec((1, 1, c), lambda e, hb: (e, 0, 0)),
        ],
        out_specs=pl.BlockSpec((cap, c), lambda e, hb: (e, 0)),
        out_shape=jax.ShapeDtypeStruct((ne * cap, c), F32),
        scratch_shapes=[pltpu.VMEM((cap, c), F32)],
    )(xg, w1, b1.reshape(ne, 1, hid), w2, b2.reshape(ne, 1, c))


def _combine_sc(eo, c1, c2, gates):
    _, c = eo.shape
    n = c1.shape[0]
    nw = SC_CORES * SC_SUBCORES
    tpw = n // nw
    ck = 32
    mesh = plsc.VectorSubcoreMesh(core_axis_name="c", subcore_axis_name="s",
                                  num_cores=SC_CORES,
                                  num_subcores=SC_SUBCORES)

    @functools.partial(
        pl.kernel, mesh=mesh,
        out_type=jax.ShapeDtypeStruct((n, c), F32),
        scratch_types=[
            pltpu.VMEM((ck,), jnp.int32),
            pltpu.VMEM((ck,), jnp.int32),
            pltpu.VMEM((ck, 32), F32),
            pltpu.VMEM((ck, c), F32),
            pltpu.VMEM((ck, c), F32),
            pltpu.VMEM((ck, c), F32),
            pltpu.SemaphoreType.DMA,
        ],
    )
    def comb(eo_hbm, c1_hbm, c2_hbm, g_hbm, out_hbm,
             i1_v, i2_v, g_v, r1_v, r2_v, o_v, sem):
        wid = lax.axis_index("s") * SC_CORES + lax.axis_index("c")
        for ci in range(tpw // ck):
            base = wid * tpw + ci * ck
            pltpu.sync_copy(c1_hbm.at[pl.ds(base, ck)], i1_v)
            pltpu.sync_copy(c2_hbm.at[pl.ds(base, ck)], i2_v)
            pltpu.sync_copy(g_hbm.at[pl.ds(base, ck)], g_v)
            cp1 = pltpu.async_copy(eo_hbm.at[i1_v], r1_v, sem)
            cp2 = pltpu.async_copy(eo_hbm.at[i2_v], r2_v, sem)
            cp1.wait()
            cp2.wait()

            def trow(t, _):
                gb1 = g_v[t, pl.ds(0, 16)]
                gb2 = g_v[t, pl.ds(16, 16)]

                def kchunk(kk, _):
                    sl = pl.ds(kk * 16, 16)
                    o_v[t, sl] = gb1 * r1_v[t, sl] + gb2 * r2_v[t, sl]
                    return 0

                lax.fori_loop(0, c // 16, kchunk, 0)
                return 0

            lax.fori_loop(0, ck, trow, 0)
            pltpu.sync_copy(o_v, out_hbm.at[pl.ds(base, ck)])

    return comb(eo, c1, c2, gates)


def kernel(x, router_w, router_b, noise_w, noise_b, w1, b1, w2, b2):
    bv, tv, c = x.shape
    ne = router_w.shape[1]
    n = bv * tv
    cap = int(n * TOPK / ne)
    x2 = x.reshape(n, c)
    gauss = jax.random.normal(jax.random.key(42), (bv, tv, ne),
                              dtype=F32).reshape(n, ne)
    mi, mf = _router(x2, router_w, router_b, noise_w, noise_b, gauss, cap)
    s1 = mi[:, 0]
    s2 = mi[:, 1]
    c1 = mi[:, 2]
    c2 = mi[:, 3]
    gates = mf[:, :32]
    xg = _dispatch_sc(x2, s1, s2, ne * cap + 8)
    eo = _ffn(xg, w1, b1, w2, b2, cap)
    out = _combine_sc(eo, c1, c2, gates)
    return out.reshape(bv, tv, c)

# --- scband reference (transcript-rebuilt; emitter-appended) ---
"""Pipeline reference for scband-sparse-mo-elanguage-model-4569845203474 (READ-ONLY COPY).

The authoritative reference and input builder live on the scoring server;
editing this copy changes nothing except your own understanding.
"""

import jax, jax.numpy as jnp
import numpy as np

B = 1
T = 2048
N_EMBED = 1024
NUM_EXPERTS = 8
TOP_K = 2
CAPACITY_FACTOR = 1.0


def setup_inputs(seed: int = 0) -> dict:
    key = jax.random.key(seed)
    ks = jax.random.split(key, 8)
    s_in = 1.0 / np.sqrt(N_EMBED)
    s_hid = 1.0 / np.sqrt(4 * N_EMBED)
    x = jax.random.normal(ks[0], (B, T, N_EMBED), dtype=jnp.float32)
    router_w = jax.random.normal(ks[1], (N_EMBED, NUM_EXPERTS), dtype=jnp.float32) * s_in
    router_b = jnp.zeros((NUM_EXPERTS,), dtype=jnp.float32)
    noise_w = jax.random.normal(ks[2], (N_EMBED, NUM_EXPERTS), dtype=jnp.float32) * s_in
    noise_b = jnp.zeros((NUM_EXPERTS,), dtype=jnp.float32)
    w1 = jax.random.normal(ks[3], (NUM_EXPERTS, N_EMBED, 4 * N_EMBED), dtype=jnp.float32) * s_in
    b1 = jnp.zeros((NUM_EXPERTS, 4 * N_EMBED), dtype=jnp.float32)
    w2 = jax.random.normal(ks[4], (NUM_EXPERTS, 4 * N_EMBED, N_EMBED), dtype=jnp.float32) * s_hid
    b2 = jnp.zeros((NUM_EXPERTS, N_EMBED), dtype=jnp.float32)
    return {"x": x, "router_w": router_w, "router_b": router_b,
            "noise_w": noise_w, "noise_b": noise_b,
            "w1": w1, "b1": b1, "w2": w2, "b2": b2}


def reference(x, router_w, router_b, noise_w, noise_b, w1, b1, w2, b2):
    Bv, Tv, C = x.shape
    N = Bv * Tv
    # NoisyTopkRouter
    logits = x @ router_w + router_b
    noise_logits = x @ noise_w + noise_b
    gauss = jax.random.normal(jax.random.key(42), logits.shape, dtype=logits.dtype)
    noisy_logits = logits + gauss * jax.nn.softplus(noise_logits)
    top_vals, top_idx = jax.lax.top_k(noisy_logits, TOP_K)
    flat_noisy = noisy_logits.reshape(N, NUM_EXPERTS)
    flat_vals = top_vals.reshape(N, TOP_K)
    flat_idx = top_idx.reshape(N, TOP_K)
    sparse = jnp.full_like(flat_noisy, -jnp.inf)
    rows = jnp.arange(N)[:, None]
    sparse = sparse.at[rows, flat_idx].set(flat_vals)
    flat_router_output = jax.nn.softmax(sparse, axis=-1)  # (N, E)
    # SparseMoE dispatch with capacity limiting
    flat_x = x.reshape(N, C)
    expert_capacity = int(N * TOP_K / NUM_EXPERTS * CAPACITY_FACTOR)
    updates = jnp.zeros_like(flat_x)
    for i in range(NUM_EXPERTS):
        expert_mask = (flat_idx == i).any(axis=-1)  # (N,)
        sel = jnp.nonzero(expert_mask, size=expert_capacity, fill_value=0)[0]
        count = jnp.minimum(expert_mask.sum(), expert_capacity)
        valid = (jnp.arange(expert_capacity) < count).astype(flat_x.dtype)[:, None]
        h = jax.nn.relu(flat_x[sel] @ w1[i] + b1[i])
        expert_out = h @ w2[i] + b2[i]
        gating = flat_router_output[sel, i][:, None]
        updates = updates.at[sel].add(expert_out * gating * valid)
    final_output = updates.reshape(Bv, Tv, C)
    return final_output

if __name__ == "__main__":
    import jax
    _d = setup_inputs()
    print(jax.jit(kernel)(*tuple(_d.values())))

</pallas_src>

<mosaic_0001>
#map = affine_map<(d0, d1) -> (0, 0)>
#map1 = affine_map<(d0, d1) -> (0)>
module attributes {stable_mosaic.version = 14 : i64} {
  func.func @disp(%arg0: i32, %arg1: i32, %arg2: memref<2048x1024xf32, #tpu.memory_space<hbm>>, %arg3: memref<2048xi32, #tpu.memory_space<hbm>>, %arg4: memref<2048xi32, #tpu.memory_space<hbm>>, %arg5: memref<4104x1024xf32, #tpu.memory_space<hbm>>, %arg6: memref<64xi32, #tpu.memory_space<vmem>>, %arg7: memref<64xi32, #tpu.memory_space<vmem>>, %arg8: memref<64x1024xf32, #tpu.memory_space<vmem>>, %arg9: memref<!tpu.dma_semaphore, #tpu.memory_space<semaphore_mem>>) attributes {dimension_semantics = [#tpu.dimension_semantics<core_parallel>, #tpu.dimension_semantics<subcore_parallel>], iteration_bounds = array<i64: 2, 16>, scalar_prefetch = 0 : i64, scratch_operands = 4 : i64, tpu.core_type = #tpu.core_type<sc_vector_subcore>, window_params = [{transform_indices = #map}, {transform_indices = #map1}, {transform_indices = #map1}, {transform_indices = #map}]} {
    %mul3A = arith.constant 2 : i32
    %mul3A_0 = arith.muli %arg1, %mul3A : i32
    %add3A = arith.addi %mul3A_0, %arg0 : i32
    %mul3A_1 = arith.constant 64 : i32
    %mul3A_2 = arith.muli %add3A, %mul3A_1 : i32
    "tpu.region"() ({
      %run_scoped3A = tpu.sem_alloc : memref<!tpu.dma_semaphore, #tpu.memory_space<semaphore_mem>>
      %dma_start3A_13 = tpu.memref_slice %arg3[%mul3A_2] : memref<2048xi32, #tpu.memory_space<hbm>> -> memref<64xi32, #tpu.memory_space<hbm>>
      %dma_start3A_14 = tpu.memref_slice %arg3[%mul3A_2] : memref<2048xi32, #tpu.memory_space<hbm>> -> memref<64xi32, #tpu.memory_space<hbm>>
      tpu.enqueue_dma source(%dma_start3A_14 : memref<64xi32, #tpu.memory_space<hbm>>) target(%arg6 : memref<64xi32, #tpu.memory_space<vmem>>) target_semaphore(%run_scoped3A : memref<!tpu.dma_semaphore, #tpu.memory_space<semaphore_mem>>)
      %dma_wait3A_15 = tpu.memref_slice %arg3[%mul3A_2] : memref<2048xi32, #tpu.memory_space<hbm>> -> memref<64xi32, #tpu.memory_space<hbm>>
      %dma_wait3A_16 = tpu.memref_slice %arg3[%mul3A_2] : memref<2048xi32, #tpu.memory_space<hbm>> -> memref<64xi32, #tpu.memory_space<hbm>>
      tpu.wait_dma2 semaphore(%run_scoped3A : memref<!tpu.dma_semaphore, #tpu.memory_space<semaphore_mem>>) src(%dma_wait3A_16 : memref<64xi32, #tpu.memory_space<hbm>>) dst(%arg6 : memref<64xi32, #tpu.memory_space<vmem>>)
      tpu.yield
    }) : () -> ()
    "tpu.region"() ({
      %run_scoped3A = tpu.sem_alloc : memref<!tpu.dma_semaphore, #tpu.memory_space<semaphore_mem>>
      %dma_start3A_13 = tpu.memref_slice %arg4[%mul3A_2] : memref<2048xi32, #tpu.memory_space<hbm>> -> memref<64xi32, #tpu.memory_space<hbm>>
      %dma_start3A_14 = tpu.memref_slice %arg4[%mul3A_2] : memref<2048xi32, #tpu.memory_space<hbm>> -> memref<64xi32, #tpu.memory_space<hbm>>
      tpu.enqueue_dma source(%dma_start3A_14 : memref<64xi32, #tpu.memory_space<hbm>>) target(%arg7 : memref<64xi32, #tpu.memory_space<vmem>>) target_semaphore(%run_scoped3A : memref<!tpu.dma_semaphore, #tpu.memory_space<semaphore_mem>>)
      %dma_wait3A_15 = tpu.memref_slice %arg4[%mul3A_2] : memref<2048xi32, #tpu.memory_space<hbm>> -> memref<64xi32, #tpu.memory_space<hbm>>
      %dma_wait3A_16 = tpu.memref_slice %arg4[%mul3A_2] : memref<2048xi32, #tpu.memory_space<hbm>> -> memref<64xi32, #tpu.memory_space<hbm>>
      tpu.wait_dma2 semaphore(%run_scoped3A : memref<!tpu.dma_semaphore, #tpu.memory_space<semaphore_mem>>) src(%dma_wait3A_16 : memref<64xi32, #tpu.memory_space<hbm>>) dst(%arg7 : memref<64xi32, #tpu.memory_space<vmem>>)
      tpu.yield
    }) : () -> ()
    "tpu.region"() ({
      %run_scoped3A = tpu.sem_alloc : memref<!tpu.dma_semaphore, #tpu.memory_space<semaphore_mem>>
      %dma_start3A_13 = arith.constant 0 : i32
      %dma_start3A_14 = tpu.memref_slice %arg2[%mul3A_2, %dma_start3A_13] : memref<2048x1024xf32, #tpu.memory_space<hbm>> -> memref<64x1024xf32, #tpu.memory_space<hbm>>
      %dma_start3A_15 = arith.constant 0 : i32
      %dma_start3A_16 = tpu.memref_slice %arg2[%mul3A_2, %dma_start3A_15] : memref<2048x1024xf32, #tpu.memory_space<hbm>> -> memref<64x1024xf32, #tpu.memory_space<hbm>>
      tpu.enqueue_dma source(%dma_start3A_16 : memref<64x1024xf32, #tpu.memory_space<hbm>>) target(%arg8 : memref<64x1024xf32, #tpu.memory_space<vmem>>) target_semaphore(%run_scoped3A : memref<!tpu.dma_semaphore, #tpu.memory_space<semaphore_mem>>)
      %dma_wait3A_17 = arith.constant 0 : i32
      %dma_wait3A_18 = tpu.memref_slice %arg2[%mul3A_2, %dma_wait3A_17] : memref<2048x1024xf32, #tpu.memory_space<hbm>> -> memref<64x1024xf32, #tpu.memory_space<hbm>>
      %dma_wait3A_19 = arith.constant 0 : i32
      %dma_wait3A_20 = tpu.memref_slice %arg2[%mul3A_2, %dma_wait3A_19] : memref<2048x1024xf32, #tpu.memory_space<hbm>> -> memref<64x1024xf32, #tpu.memory_space<hbm>>
      tpu.wait_dma2 semaphore(%run_scoped3A : memref<!tpu.dma_semaphore, #tpu.memory_space<semaphore_mem>>) src(%dma_wait3A_20 : memref<64x1024xf32, #tpu.memory_space<hbm>>) dst(%arg8 : memref<64x1024xf32, #tpu.memory_space<vmem>>)
      tpu.yield
    }) : () -> ()
    %dma_start3A = arith.constant 0 : i32
    %dma_start3A_3 = arith.constant 0 : i32
    %dma_start3A_4 = tpu.memref_slice %arg5[%dma_start3A, %dma_start3A_3] : memref<4104x1024xf32, #tpu.memory_space<hbm>> -> memref<4104x1024xf32, #tpu.memory_space<hbm>>
    tpu.enqueue_indirect_dma source(%arg8 : memref<64x1024xf32, #tpu.memory_space<vmem>>) target(%dma_start3A_4 : memref<4104x1024xf32, #tpu.memory_space<hbm>>) offsets(%arg6 : memref<64xi32, #tpu.memory_space<vmem>>) semaphore(%arg9 : memref<!tpu.dma_semaphore, #tpu.memory_space<semaphore_mem>>)
    %dma_start3A_5 = arith.constant 0 : i32
    %dma_start3A_6 = arith.constant 0 : i32
    %dma_start3A_7 = tpu.memref_slice %arg5[%dma_start3A_5, %dma_start3A_6] : memref<4104x1024xf32, #tpu.memory_space<hbm>> -> memref<4104x1024xf32, #tpu.memory_space<hbm>>
    tpu.enqueue_indirect_dma source(%arg8 : memref<64x1024xf32, #tpu.memory_space<vmem>>) target(%dma_start3A_7 : memref<4104x1024xf32, #tpu.memory_space<hbm>>) offsets(%arg7 : memref<64xi32, #tpu.memory_space<vmem>>) semaphore(%arg9 : memref<!tpu.dma_semaphore, #tpu.memory_space<semaphore_mem>>)
    %dma_wait3A = arith.constant 0 : i32
    %dma_wait3A_8 = arith.constant 0 : i32
    %dma_wait3A_9 = tpu.memref_slice %arg5[%dma_wait3A, %dma_wait3A_8] : memref<4104x1024xf32, #tpu.memory_space<hbm>> -> memref<4104x1024xf32, #tpu.memory_space<hbm>>
    tpu.wait_indirect_dma semaphore(%arg9 : memref<!tpu.dma_semaphore, #tpu.memory_space<semaphore_mem>>) src(%arg8 : memref<64x1024xf32, #tpu.memory_space<vmem>>) dst(%dma_wait3A_9 : memref<4104x1024xf32, #tpu.memory_space<hbm>>)
    %dma_wait3A_10 = arith.constant 0 : i32
    %dma_wait3A_11 = arith.constant 0 : i32
    %dma_wait3A_12 = tpu.memref_slice %arg5[%dma_wait3A_10, %dma_wait3A_11] : memref<4104x1024xf32, #tpu.memory_space<hbm>> -> memref<4104x1024xf32, #tpu.memory_space<hbm>>
    tpu.wait_indirect_dma semaphore(%arg9 : memref<!tpu.dma_semaphore, #tpu.memory_space<semaphore_mem>>) src(%arg8 : memref<64x1024xf32, #tpu.memory_space<vmem>>) dst(%dma_wait3A_12 : memref<4104x1024xf32, #tpu.memory_space<hbm>>)
    return
  }
}

#map = affine_map<(d0, d1) -> (0, 0)>
#map1 = affine_map<(d0, d1) -> (0)>
module attributes {stable_mosaic.version = 14 : i64} {
  func.func @comb(%arg0: i32, %arg1: i32, %arg2: memref<4096x1024xf32, #tpu.memory_space<hbm>>, %arg3: memref<2048xi32, #tpu.memory_space<hbm>>, %arg4: memref<2048xi32, #tpu.memory_space<hbm>>, %arg5: memref<2048x32xf32, #tpu.memory_space<hbm>>, %arg6: memref<2048x1024xf32, #tpu.memory_space<hbm>>, %arg7: memref<32xi32, #tpu.memory_space<vmem>>, %arg8: memref<32xi32, #tpu.memory_space<vmem>>, %arg9: memref<32x32xf32, #tpu.memory_space<vmem>>, %arg10: memref<32x1024xf32, #tpu.memory_space<vmem>>, %arg11: memref<32x1024xf32, #tpu.memory_space<vmem>>, %arg12: memref<32x1024xf32, #tpu.memory_space<vmem>>, %arg13: memref<!tpu.dma_semaphore, #tpu.memory_space<semaphore_mem>>) attributes {dimension_semantics = [#tpu.dimension_semantics<core_parallel>, #tpu.dimension_semantics<subcore_parallel>], iteration_bounds = array<i64: 2, 16>, scalar_prefetch = 0 : i64, scratch_operands = 7 : i64, tpu.core_type = #tpu.core_type<sc_vector_subcore>, window_params = [{transform_indices = #map}, {transform_indices = #map1}, {transform_indices = #map1}, {transform_indices = #map}, {transform_indices = #map}]} {
    %mul3A = arith.constant 2 : i32
    %mul3A_0 = arith.muli %arg1, %mul3A : i32
    %add3A = arith.addi %mul3A_0, %arg0 : i32
    %mul3A_1 = arith.constant 64 : i32
    %mul3A_2 = arith.muli %add3A, %mul3A_1 : i32
    %add3A_3 = arith.constant 0 : i32
    %add3A_4 = arith.addi %mul3A_2, %add3A_3 : i32
    "tpu.region"() ({
      %run_scoped3A = tpu.sem_alloc : memref<!tpu.dma_semaphore, #tpu.memory_space<semaphore_mem>>
      %dma_start3A_44 = tpu.memref_slice %arg3[%add3A_4] : memref<2048xi32, #tpu.memory_space<hbm>> -> memref<32xi32, #tpu.memory_space<hbm>>
      %dma_start3A_45 = tpu.memref_slice %arg3[%add3A_4] : memref<2048xi32, #tpu.memory_space<hbm>> -> memref<32xi32, #tpu.memory_space<hbm>>
      tpu.enqueue_dma source(%dma_start3A_45 : memref<32xi32, #tpu.memory_space<hbm>>) target(%arg7 : memref<32xi32, #tpu.memory_space<vmem>>) target_semaphore(%run_scoped3A : memref<!tpu.dma_semaphore, #tpu.memory_space<semaphore_mem>>)
      %dma_wait3A_46 = tpu.memref_slice %arg3[%add3A_4] : memref<2048xi32, #tpu.memory_space<hbm>> -> memref<32xi32, #tpu.memory_space<hbm>>
      %dma_wait3A_47 = tpu.memref_slice %arg3[%add3A_4] : memref<2048xi32, #tpu.memory_space<hbm>> -> memref<32xi32, #tpu.memory_space<hbm>>
      tpu.wait_dma2 semaphore(%run_scoped3A : memref<!tpu.dma_semaphore, #tpu.memory_space<semaphore_mem>>) src(%dma_wait3A_47 : memref<32xi32, #tpu.memory_space<hbm>>) dst(%arg7 : memref<32xi32, #tpu.memory_space<vmem>>)
      tpu.yield
    }) : () -> ()
    "tpu.region"() ({
      %run_scoped3A = tpu.sem_alloc : memref<!tpu.dma_semaphore, #tpu.memory_space<semaphore_mem>>
      %dma_start3A_44 = tpu.memref_slice %arg4[%add3A_4] : memref<2048xi32, #tpu.memory_space<hbm>> -> memref<32xi32, #tpu.memory_space<hbm>>
      %dma_start3A_45 = tpu.memref_slice %arg4[%add3A_4] : memref<2048xi32, #tpu.memory_space<hbm>> -> memref<32xi32, #tpu.memory_space<hbm>>
      tpu.enqueue_dma source(%dma_start3A_45 : memref<32xi32, #tpu.memory_space<hbm>>) target(%arg8 : memref<32xi32, #tpu.memory_space<vmem>>) target_semaphore(%run_scoped3A : memref<!tpu.dma_semaphore, #tpu.memory_space<semaphore_mem>>)
      %dma_wait3A_46 = tpu.memref_slice %arg4[%add3A_4] : memref<2048xi32, #tpu.memory_space<hbm>> -> memref<32xi32, #tpu.memory_space<hbm>>
      %dma_wait3A_47 = tpu.memref_slice %arg4[%add3A_4] : memref<2048xi32, #tpu.memory_space<hbm>> -> memref<32xi32, #tpu.memory_space<hbm>>
      tpu.wait_dma2 semaphore(%run_scoped3A : memref<!tpu.dma_semaphore, #tpu.memory_space<semaphore_mem>>) src(%dma_wait3A_47 : memref<32xi32, #tpu.memory_space<hbm>>) dst(%arg8 : memref<32xi32, #tpu.memory_space<vmem>>)
      tpu.yield
    }) : () -> ()
    "tpu.region"() ({
      %run_scoped3A = tpu.sem_alloc : memref<!tpu.dma_semaphore, #tpu.memory_space<semaphore_mem>>
      %dma_start3A_44 = arith.constant 0 : i32
      %dma_start3A_45 = tpu.memref_slice %arg5[%add3A_4, %dma_start3A_44] : memref<2048x32xf32, #tpu.memory_space<hbm>> -> memref<32x32xf32, #tpu.memory_space<hbm>>
      %dma_start3A_46 = arith.constant 0 : i32
      %dma_start3A_47 = tpu.memref_slice %arg5[%add3A_4, %dma_start3A_46] : memref<2048x32xf32, #tpu.memory_space<hbm>> -> memref<32x32xf32, #tpu.memory_space<hbm>>
      tpu.enqueue_dma source(%dma_start3A_47 : memref<32x32xf32, #tpu.memory_space<hbm>>) target(%arg9 : memref<32x32xf32, #tpu.memory_space<vmem>>) target_semaphore(%run_scoped3A : memref<!tpu.dma_semaphore, #tpu.memory_space<semaphore_mem>>)
      %dma_wait3A_48 = arith.constant 0 : i32
      %dma_wait3A_49 = tpu.memref_slice %arg5[%add3A_4, %dma_wait3A_48] : memref<2048x32xf32, #tpu.memory_space<hbm>> -> memref<32x32xf32, #tpu.memory_space<hbm>>
      %dma_wait3A_50 = arith.constant 0 : i32
      %dma_wait3A_51 = tpu.memref_slice %arg5[%add3A_4, %dma_wait3A_50] : memref<2048x32xf32, #tpu.memory_space<hbm>> -> memref<32x32xf32, #tpu.memory_space<hbm>>
      tpu.wait_dma2 semaphore(%run_scoped3A : memref<!tpu.dma_semaphore, #tpu.memory_space<semaphore_mem>>) src(%dma_wait3A_51 : memref<32x32xf32, #tpu.memory_space<hbm>>) dst(%arg9 : memref<32x32xf32, #tpu.memory_space<vmem>>)
      tpu.yield
    }) : () -> ()
    %dma_start3A = arith.constant 0 : i32
    %dma_start3A_5 = arith.constant 0 : i32
    %dma_start3A_6 = tpu.memref_slice %arg2[%dma_start3A, %dma_start3A_5] : memref<4096x1024xf32, #tpu.memory_space<hbm>> -> memref<4096x1024xf32, #tpu.memory_space<hbm>>
    tpu.enqueue_indirect_dma source(%dma_start3A_6 : memref<4096x1024xf32, #tpu.memory_space<hbm>>) target(%arg10 : memref<32x1024xf32, #tpu.memory_space<vmem>>) offsets(%arg7 : memref<32xi32, #tpu.memory_space<vmem>>) semaphore(%arg13 : memref<!tpu.dma_semaphore, #tpu.memory_space<semaphore_mem>>)
    %dma_start3A_7 = arith.constant 0 : i32
    %dma_start3A_8 = arith.constant 0 : i32
    %dma_start3A_9 = tpu.memref_slice %arg2[%dma_start3A_7, %dma_start3A_8] : memref<4096x1024xf32, #tpu.memory_space<hbm>> -> memref<4096x1024xf32, #tpu.memory_space<hbm>>
    tpu.enqueue_indirect_dma source(%dma_start3A_9 : memref<4096x1024xf32, #tpu.memory_space<hbm>>) target(%arg11 : memref<32x1024xf32, #tpu.memory_space<vmem>>) offsets(%arg8 : memref<32xi32, #tpu.memory_space<vmem>>) semaphore(%arg13 : memref<!tpu.dma_semaphore, #tpu.memory_space<semaphore_mem>>)
    %dma_wait3A = arith.constant 0 : i32
    %dma_wait3A_10 = arith.constant 0 : i32
    %dma_wait3A_11 = tpu.memref_slice %arg2[%dma_wait3A, %dma_wait3A_10] : memref<4096x1024xf32, #tpu.memory_space<hbm>> -> memref<4096x1024xf32, #tpu.memory_space<hbm>>
    tpu.wait_indirect_dma semaphore(%arg13 : memref<!tpu.dma_semaphore, #tpu.memory_space<semaphore_mem>>) src(%dma_wait3A_11 : memref<4096x1024xf32, #tpu.memory_space<hbm>>) dst(%arg10 : memref<32x1024xf32, #tpu.memory_space<vmem>>)
    %dma_wait3A_12 = arith.constant 0 : i32
    %dma_wait3A_13 = arith.constant 0 : i32
    %dma_wait3A_14 = tpu.memref_slice %arg2[%dma_wait3A_12, %dma_wait3A_13] : memref<4096x1024xf32, #tpu.memory_space<hbm>> -> memref<4096x1024xf32, #tpu.memory_space<hbm>>
    tpu.wait_indirect_dma semaphore(%arg13 : memref<!tpu.dma_semaphore, #tpu.memory_space<semaphore_mem>>) src(%dma_wait3A_14 : memref<4096x1024xf32, #tpu.memory_space<hbm>>) dst(%arg11 : memref<32x1024xf32, #tpu.memory_space<vmem>>)
    %scan3A = arith.constant 0 : i32
    %scan3A_15 = arith.constant 0 : i32
    %scan3A_16 = arith.constant 32 : i32
    %scan3A_17 = arith.addi %scan3A_15, %scan3A_16 : i32
    %scan3A_18 = arith.constant 1 : i32
    %scan3A_19 = scf.for %scan3A_44 = %scan3A_15 to %scan3A_17 step %scan3A_18 iter_args(%scan3A_45 = %scan3A) -> (i32)  : i32 {
      %get3A = arith.index_cast %scan3A_44 : i32 to index
      %get3A_46 = arith.constant 0 : index
      %get3A_47 = tpu.vector_load %arg9[%get3A, %get3A_46] {strides = array<i32>} : memref<32x32xf32, #tpu.memory_space<vmem>>, vector<1x16xf32>,
      %get3A_48 = vector.shape_cast %get3A_47 : vector<1x16xf32> to vector<16xf32>
      %get3A_49 = arith.index_cast %scan3A_44 : i32 to index
      %get3A_50 = arith.constant 16 : index
      %get3A_51 = tpu.vector_load %arg9[%get3A_49, %get3A_50] {strides = array<i32>} : memref<32x32xf32, #tpu.memory_space<vmem>>, vector<1x16xf32>,
      %get3A_52 = vector.shape_cast %get3A_51 : vector<1x16xf32> to vector<16xf32>
      %scan3A_53 = arith.constant 0 : i32
      %scan3A_54 = arith.constant 0 : i32
      %scan3A_55 = arith.constant 64 : i32
      %scan3A_56 = arith.addi %scan3A_54, %scan3A_55 : i32
      %scan3A_57 = arith.constant 1 : i32
      %scan3A_58 = scf.for %scan3A_61 = %scan3A_54 to %scan3A_56 step %scan3A_57 iter_args(%scan3A_62 = %scan3A_53) -> (i32)  : i32 {
        %mul3A_63 = arith.constant 16 : i32
        %mul3A_64 = arith.muli %scan3A_61, %mul3A_63 : i32
        %get3A_65 = arith.index_cast %scan3A_44 : i32 to index
        %get3A_66 = arith.index_cast %mul3A_64 : i32 to index
        %get3A_67 = tpu.vector_load %arg10[%get3A_65, %get3A_66] {strides = array<i32>} : memref<32x1024xf32, #tpu.memory_space<vmem>>, vector<1x16xf32>,
        %get3A_68 = vector.shape_cast %get3A_67 : vector<1x16xf32> to vector<16xf32>
        %mul3A_69 = arith.mulf %get3A_48, %get3A_68 : vector<16xf32>
        %get3A_70 = arith.index_cast %scan3A_44 : i32 to index
        %get3A_71 = arith.index_cast %mul3A_64 : i32 to index
        %get3A_72 = tpu.vector_load %arg11[%get3A_70, %get3A_71] {strides = array<i32>} : memref<32x1024xf32, #tpu.memory_space<vmem>>, vector<1x16xf32>,
        %get3A_73 = vector.shape_cast %get3A_72 : vector<1x16xf32> to vector<16xf32>
        %mul3A_74 = arith.mulf %get3A_52, %get3A_73 : vector<16xf32>
        %add3A_75 = arith.addf %mul3A_69, %mul3A_74 : vector<16xf32>
        %swap3A = arith.index_cast %scan3A_44 : i32 to index
        %swap3A_76 = arith.index_cast %mul3A_64 : i32 to index
        %swap3A_77 = tpu.vector_load %arg12[%swap3A, %swap3A_76] {strides = array<i32>} : memref<32x1024xf32, #tpu.memory_space<vmem>>, vector<1x16xf32>,
        %swap3A_78 = vector.shape_cast %swap3A_77 : vector<1x16xf32> to vector<16xf32>
        %swap3A_79 = vector.shape_cast %add3A_75 : vector<16xf32> to vector<1x16xf32>
        tpu.vector_store %arg12[%swap3A, %swap3A_76], %swap3A_79 {strides = array<i32>} : memref<32x1024xf32, #tpu.memory_space<vmem>>, vector<1x16xf32>,
        %scan3A_80 = arith.constant 0 : i32
        scf.yield %scan3A_80 : i32
      }
      %scan3A_59 = arith.constant 64 : i32
      %scan3A_60 = arith.constant 0 : i32
      scf.yield %scan3A_60 : i32
    }
    %scan3A_20 = arith.constant 32 : i32
    "tpu.region"() ({
      %run_scoped3A = tpu.sem_alloc : memref<!tpu.dma_semaphore, #tpu.memory_space<semaphore_mem>>
      %dma_start3A_44 = arith.constant 0 : i32
      %dma_start3A_45 = tpu.memref_slice %arg6[%add3A_4, %dma_start3A_44] : memref<2048x1024xf32, #tpu.memory_space<hbm>> -> memref<32x1024xf32, #tpu.memory_space<hbm>>
      %dma_start3A_46 = arith.constant 0 : i32
      %dma_start3A_47 = tpu.memref_slice %arg6[%add3A_4, %dma_start3A_46] : memref<2048x1024xf32, #tpu.memory_space<hbm>> -> memref<32x1024xf32, #tpu.memory_space<hbm>>
      tpu.enqueue_dma source(%arg12 : memref<32x1024xf32, #tpu.memory_space<vmem>>) target(%dma_start3A_47 : memref<32x1024xf32, #tpu.memory_space<hbm>>) target_semaphore(%run_scoped3A : memref<!tpu.dma_semaphore, #tpu.memory_space<semaphore_mem>>)
      %dma_wait3A_48 = arith.constant 0 : i32
      %dma_wait3A_49 = tpu.memref_slice %arg6[%add3A_4, %dma_wait3A_48] : memref<2048x1024xf32, #tpu.memory_space<hbm>> -> memref<32x1024xf32, #tpu.memory_space<hbm>>
      %dma_wait3A_50 = arith.constant 0 : i32
      %dma_wait3A_51 = tpu.memref_slice %arg6[%add3A_4, %dma_wait3A_50] : memref<2048x1024xf32, #tpu.memory_space<hbm>> -> memref<32x1024xf32, #tpu.memory_space<hbm>>
      tpu.wait_dma2 semaphore(%run_scoped3A : memref<!tpu.dma_semaphore, #tpu.memory_space<semaphore_mem>>) src(%arg12 : memref<32x1024xf32, #tpu.memory_space<vmem>>) dst(%dma_wait3A_51 : memref<32x1024xf32, #tpu.memory_space<hbm>>)
      tpu.yield
    }) : () -> ()
    %mul3A_21 = arith.constant 64 : i32
    %mul3A_22 = arith.muli %add3A, %mul3A_21 : i32
    %add3A_23 = arith.constant 32 : i32
    %add3A_24 = arith.addi %mul3A_22, %add3A_23 : i32
    "tpu.region"() ({
      %run_scoped3A = tpu.sem_alloc : memref<!tpu.dma_semaphore, #tpu.memory_space<semaphore_mem>>
      %dma_start3A_44 = tpu.memref_slice %arg3[%add3A_24] : memref<2048xi32, #tpu.memory_space<hbm>> -> memref<32xi32, #tpu.memory_space<hbm>>
      %dma_start3A_45 = tpu.memref_slice %arg3[%add3A_24] : memref<2048xi32, #tpu.memory_space<hbm>> -> memref<32xi32, #tpu.memory_space<hbm>>
      tpu.enqueue_dma source(%dma_start3A_45 : memref<32xi32, #tpu.memory_space<hbm>>) target(%arg7 : memref<32xi32, #tpu.memory_space<vmem>>) target_semaphore(%run_scoped3A : memref<!tpu.dma_semaphore, #tpu.memory_space<semaphore_mem>>)
      %dma_wait3A_46 = tpu.memref_slice %arg3[%add3A_24] : memref<2048xi32, #tpu.memory_space<hbm>> -> memref<32xi32, #tpu.memory_space<hbm>>
      %dma_wait3A_47 = tpu.memref_slice %arg3[%add3A_24] : memref<2048xi32, #tpu.memory_space<hbm>> -> memref<32xi32, #tpu.memory_space<hbm>>
      tpu.wait_dma2 semaphore(%run_scoped3A : memref<!tpu.dma_semaphore, #tpu.memory_space<semaphore_mem>>) src(%dma_wait3A_47 : memref<32xi32, #tpu.memory_space<hbm>>) dst(%arg7 : memref<32xi32, #tpu.memory_space<vmem>>)
      tpu.yield
    }) : () -> ()
    "tpu.region"() ({
      %run_scoped3A = tpu.sem_alloc : memref<!tpu.dma_semaphore, #tpu.memory_space<semaphore_mem>>
      %dma_start3A_44 = tpu.memref_slice %arg4[%add3A_24] : memref<2048xi32, #tpu.memory_space<hbm>> -> memref<32xi32, #tpu.memory_space<hbm>>
      %dma_start3A_45 = tpu.memref_slice %arg4[%add3A_24] : memref<2048xi32, #tpu.memory_space<hbm>> -> memref<32xi32, #tpu.memory_space<hbm>>
      tpu.enqueue_dma source(%dma_start3A_45 : memref<32xi32, #tpu.memory_space<hbm>>) target(%arg8 : memref<32xi32, #tpu.memory_space<vmem>>) target_semaphore(%run_scoped3A : memref<!tpu.dma_semaphore, #tpu.memory_space<semaphore_mem>>)
      %dma_wait3A_46 = tpu.memref_slice %arg4[%add3A_24] : memref<2048xi32, #tpu.memory_space<hbm>> -> memref<32xi32, #tpu.memory_space<hbm>>
      %dma_wait3A_47 = tpu.memref_slice %arg4[%add3A_24] : memref<2048xi32, #tpu.memory_space<hbm>> -> memref<32xi32, #tpu.memory_space<hbm>>
      tpu.wait_dma2 semaphore(%run_scoped3A : memref<!tpu.dma_semaphore, #tpu.memory_space<semaphore_mem>>) src(%dma_wait3A_47 : memref<32xi32, #tpu.memory_space<hbm>>) dst(%arg8 : memref<32xi32, #tpu.memory_space<vmem>>)
      tpu.yield
    }) : () -> ()
    "tpu.region"() ({
      %run_scoped3A = tpu.sem_alloc : memref<!tpu.dma_semaphore, #tpu.memory_space<semaphore_mem>>
      %dma_start3A_44 = arith.constant 0 : i32
      %dma_start3A_45 = tpu.memref_slice %arg5[%add3A_24, %dma_start3A_44] : memref<2048x32xf32, #tpu.memory_space<hbm>> -> memref<32x32xf32, #tpu.memory_space<hbm>>
      %dma_start3A_46 = arith.constant 0 : i32
      %dma_start3A_47 = tpu.memref_slice %arg5[%add3A_24, %dma_start3A_46] : memref<2048x32xf32, #tpu.memory_space<hbm>> -> memref<32x32xf32, #tpu.memory_space<hbm>>
      tpu.enqueue_dma source(%dma_start3A_47 : memref<32x32xf32, #tpu.memory_space<hbm>>) target(%arg9 : memref<32x32xf32, #tpu.memory_space<vmem>>) target_semaphore(%run_scoped3A : memref<!tpu.dma_semaphore, #tpu.memory_space<semaphore_mem>>)
      %dma_wait3A_48 = arith.constant 0 : i32
      %dma_wait3A_49 = tpu.memref_slice %arg5[%add3A_24, %dma_wait3A_48] : memref<2048x32xf32, #tpu.memory_space<hbm>> -> memref<32x32xf32, #tpu.memory_space<hbm>>
      %dma_wait3A_50 = arith.constant 0 : i32
      %dma_wait3A_51 = tpu.memref_slice %arg5[%add3A_24, %dma_wait3A_50] : memref<2048x32xf32, #tpu.memory_space<hbm>> -> memref<32x32xf32, #tpu.memory_space<hbm>>
      tpu.wait_dma2 semaphore(%run_scoped3A : memref<!tpu.dma_semaphore, #tpu.memory_space<semaphore_mem>>) src(%dma_wait3A_51 : memref<32x32xf32, #tpu.memory_space<hbm>>) dst(%arg9 : memref<32x32xf32, #tpu.memory_space<vmem>>)
      tpu.yield
    }) : () -> ()
    %dma_start3A_25 = arith.constant 0 : i32
    %dma_start3A_26 = arith.constant 0 : i32
    %dma_start3A_27 = tpu.memref_slice %arg2[%dma_start3A_25, %dma_start3A_26] : memref<4096x1024xf32, #tpu.memory_space<hbm>> -> memref<4096x1024xf32, #tpu.memory_space<hbm>>
    tpu.enqueue_indirect_dma source(%dma_start3A_27 : memref<4096x1024xf32, #tpu.memory_space<hbm>>) target(%arg10 : memref<32x1024xf32, #tpu.memory_space<vmem>>) offsets(%arg7 : memref<32xi32, #tpu.memory_space<vmem>>) semaphore(%arg13 : memref<!tpu.dma_semaphore, #tpu.memory_space<semaphore_mem>>)
    %dma_start3A_28 = arith.constant 0 : i32
    %dma_start3A_29 = arith.constant 0 : i32
    %dma_start3A_30 = tpu.memref_slice %arg2[%dma_start3A_28, %dma_start3A_29] : memref<4096x1024xf32, #tpu.memory_space<hbm>> -> memref<4096x1024xf32, #tpu.memory_space<hbm>>
    tpu.enqueue_indirect_dma source(%dma_start3A_30 : memref<4096x1024xf32, #tpu.memory_space<hbm>>) target(%arg11 : memref<32x1024xf32, #tpu.memory_space<vmem>>) offsets(%arg8 : memref<32xi32, #tpu.memory_space<vmem>>) semaphore(%arg13 : memref<!tpu.dma_semaphore, #tpu.memory_space<semaphore_mem>>)
    %dma_wait3A_31 = arith.constant 0 : i32
    %dma_wait3A_32 = arith.constant 0 : i32
    %dma_wait3A_33 = tpu.memref_slice %arg2[%dma_wait3A_31, %dma_wait3A_32] : memref<4096x1024xf32, #tpu.memory_space<hbm>> -> memref<4096x1024xf32, #tpu.memory_space<hbm>>
    tpu.wait_indirect_dma semaphore(%arg13 : memref<!tpu.dma_semaphore, #tpu.memory_space<semaphore_mem>>) src(%dma_wait3A_33 : memref<4096x1024xf32, #tpu.memory_space<hbm>>) dst(%arg10 : memref<32x1024xf32, #tpu.memory_space<vmem>>)
    %dma_wait3A_34 = arith.constant 0 : i32
    %dma_wait3A_35 = arith.constant 0 : i32
    %dma_wait3A_36 = tpu.memref_slice %arg2[%dma_wait3A_34, %dma_wait3A_35] : memref<4096x1024xf32, #tpu.memory_space<hbm>> -> memref<4096x1024xf32, #tpu.memory_space<hbm>>
    tpu.wait_indirect_dma semaphore(%arg13 : memref<!tpu.dma_semaphore, #tpu.memory_space<semaphore_mem>>) src(%dma_wait3A_36 : memref<4096x1024xf32, #tpu.memory_space<hbm>>) dst(%arg11 : memref<32x1024xf32, #tpu.memory_space<vmem>>)
    %scan3A_37 = arith.constant 0 : i32
    %scan3A_38 = arith.constant 0 : i32
    %scan3A_39 = arith.constant 32 : i32
    %scan3A_40 = arith.addi %scan3A_38, %scan3A_39 : i32
    %scan3A_41 = arith.constant 1 : i32
    %scan3A_42 = scf.for %scan3A_44 = %scan3A_38 to %scan3A_40 step %scan3A_41 iter_args(%scan3A_45 = %scan3A_37) -> (i32)  : i32 {
      %get3A = arith.index_cast %scan3A_44 : i32 to index
      %get3A_46 = arith.constant 0 : index
      %get3A_47 = tpu.vector_load %arg9[%get3A, %get3A_46] {strides = array<i32>} : memref<32x32xf32, #tpu.memory_space<vmem>>, vector<1x16xf32>,
      %get3A_48 = vector.shape_cast %get3A_47 : vector<1x16xf32> to vector<16xf32>
      %get3A_49 = arith.index_cast %scan3A_44 : i32 to index
      %get3A_50 = arith.constant 16 : index
      %get3A_51 = tpu.vector_load %arg9[%get3A_49, %get3A_50] {strides = array<i32>} : memref<32x32xf32, #tpu.memory_space<vmem>>, vector<1x16xf32>,
      %get3A_52 = vector.shape_cast %get3A_51 : vector<1x16xf32> to vector<16xf32>
      %scan3A_53 = arith.constant 0 : i32
      %scan3A_54 = arith.constant 0 : i32
      %scan3A_55 = arith.constant 64 : i32
      %scan3A_56 = arith.addi %scan3A_54, %scan3A_55 : i32
      %scan3A_57 = arith.constant 1 : i32
      %scan3A_58 = scf.for %scan3A_61 = %scan3A_54 to %scan3A_56 step %scan3A_57 iter_args(%scan3A_62 = %scan3A_53) -> (i32)  : i32 {
        %mul3A_63 = arith.constant 16 : i32
        %mul3A_64 = arith.muli %scan3A_61, %mul3A_63 : i32
        %get3A_65 = arith.index_cast %scan3A_44 : i32 to index
        %get3A_66 = arith.index_cast %mul3A_64 : i32 to index
        %get3A_67 = tpu.vector_load %arg10[%get3A_65, %get3A_66] {strides = array<i32>} : memref<32x1024xf32, #tpu.memory_space<vmem>>, vector<1x16xf32>,
        %get3A_68 = vector.shape_cast %get3A_67 : vector<1x16xf32> to vector<16xf32>
        %mul3A_69 = arith.mulf %get3A_48, %get3A_68 : vector<16xf32>
        %get3A_70 = arith.index_cast %scan3A_44 : i32 to index
        %get3A_71 = arith.index_cast %mul3A_64 : i32 to index
        %get3A_72 = tpu.vector_load %arg11[%get3A_70, %get3A_71] {strides = array<i32>} : memref<32x1024xf32, #tpu.memory_space<vmem>>, vector<1x16xf32>,
        %get3A_73 = vector.shape_cast %get3A_72 : vector<1x16xf32> to vector<16xf32>
        %mul3A_74 = arith.mulf %get3A_52, %get3A_73 : vector<16xf32>
        %add3A_75 = arith.addf %mul3A_69, %mul3A_74 : vector<16xf32>
        %swap3A = arith.index_cast %scan3A_44 : i32 to index
        %swap3A_76 = arith.index_cast %mul3A_64 : i32 to index
        %swap3A_77 = tpu.vector_load %arg12[%swap3A, %swap3A_76] {strides = array<i32>} : memref<32x1024xf32, #tpu.memory_space<vmem>>, vector<1x16xf32>,
        %swap3A_78 = vector.shape_cast %swap3A_77 : vector<1x16xf32> to vector<16xf32>
        %swap3A_79 = vector.shape_cast %add3A_75 : vector<16xf32> to vector<1x16xf32>
        tpu.vector_store %arg12[%swap3A, %swap3A_76], %swap3A_79 {strides = array<i32>} : memref<32x1024xf32, #tpu.memory_space<vmem>>, vector<1x16xf32>,
        %scan3A_80 = arith.constant 0 : i32
        scf.yield %scan3A_80 : i32
      }
      %scan3A_59 = arith.constant 64 : i32
      %scan3A_60 = arith.constant 0 : i32
      scf.yield %scan3A_60 : i32
    }
    %scan3A_43 = arith.constant 32 : i32
    "tpu.region"() ({
      %run_scoped3A = tpu.sem_alloc : memref<!tpu.dma_semaphore, #tpu.memory_space<semaphore_mem>>
      %dma_start3A_44 = arith.constant 0 : i32
      %dma_start3A_45 = tpu.memref_slice %arg6[%add3A_24, %dma_start3A_44] : memref<2048x1024xf32, #tpu.memory_space<hbm>> -> memref<32x1024xf32, #tpu.memory_space<hbm>>
      %dma_start3A_46 = arith.constant 0 : i32
      %dma_start3A_47 = tpu.memref_slice %arg6[%add3A_24, %dma_start3A_46] : memref<2048x1024xf32, #tpu.memory_space<hbm>> -> memref<32x1024xf32, #tpu.memory_space<hbm>>
      tpu.enqueue_dma source(%arg12 : memref<32x1024xf32, #tpu.memory_space<vmem>>) target(%dma_start3A_47 : memref<32x1024xf32, #tpu.memory_space<hbm>>) target_semaphore(%run_scoped3A : memref<!tpu.dma_semaphore, #tpu.memory_space<semaphore_mem>>)
      %dma_wait3A_48 = arith.constant 0 : i32
      %dma_wait3A_49 = tpu.memref_slice %arg6[%add3A_24, %dma_wait3A_48] : memref<2048x1024xf32, #tpu.memory_space<hbm>> -> memref<32x1024xf32, #tpu.memory_space<hbm>>
      %dma_wait3A_50 = arith.constant 0 : i32
      %dma_wait3A_51 = tpu.memref_slice %arg6[%add3A_24, %dma_wait3A_50] : memref<2048x1024xf32, #tpu.memory_space<hbm>> -> memref<32x1024xf32, #tpu.memory_space<hbm>>
      tpu.wait_dma2 semaphore(%run_scoped3A : memref<!tpu.dma_semaphore, #tpu.memory_space<semaphore_mem>>) src(%arg12 : memref<32x1024xf32, #tpu.memory_space<vmem>>) dst(%dma_wait3A_51 : memref<32x1024xf32, #tpu.memory_space<hbm>>)
      tpu.yield
    }) : () -> ()
    return
  }
}

module attributes {stable_mosaic.version = 14 : i64} {
  func.func @_router_body(%arg0: memref<2048x1024xf32, #tpu.memory_space<vmem>>, %arg1: memref<1024x8xf32, #tpu.memory_space<vmem>>, %arg2: memref<1x8xf32, #tpu.memory_space<vmem>>, %arg3: memref<1024x8xf32, #tpu.memory_space<vmem>>, %arg4: memref<1x8xf32, #tpu.memory_space<vmem>>, %arg5: memref<2048x8xf32, #tpu.memory_space<vmem>>, %arg6: memref<2048x128xi32, #tpu.memory_space<vmem>>, %arg7: memref<2048x128xf32, #tpu.memory_space<vmem>>) attributes {dimension_semantics = [], scalar_prefetch = 0 : i64, scratch_operands = 0 : i64, tpu.core_type = #tpu.core_type<tc>} {
    %get3A = arith.constant 0 : index
    %get3A_0 = arith.constant 0 : index
    %get3A_1 = vector.load %arg0[%get3A, %get3A_0] : memref<2048x1024xf32, #tpu.memory_space<vmem>>, vector<2048x1024xf32>
    %get3A_2 = arith.constant 0 : index
    %get3A_3 = arith.constant 0 : index
    %get3A_4 = vector.load %arg1[%get3A_2, %get3A_3] : memref<1024x8xf32, #tpu.memory_space<vmem>>, vector<1024x8xf32>
    %dot_general3A = arith.constant dense<0.000000e+00> : vector<2048x8xf32>
    %dot_general3A_5 = tpu.matmul %get3A_1, %get3A_4, %dot_general3A {dimension_numbers = #tpu.dot_dimension_numbers<[1], [0], [0], [1], [0, 0, 1, 1], [], []>, transpose_lhs_hint = false} : vector<2048x1024xf32>, vector<1024x8xf32>, vector<2048x8xf32> -> vector<2048x8xf32>
    %get3A_6 = arith.constant 0 : index
    %get3A_7 = arith.constant 0 : index
    %get3A_8 = vector.load %arg2[%get3A_6, %get3A_7] : memref<1x8xf32, #tpu.memory_space<vmem>>, vector<1x8xf32>
    %add3A = vector.broadcast %get3A_8 : vector<1x8xf32> to vector<2048x8xf32>
    %add3A_9 = arith.addf %dot_general3A_5, %add3A : vector<2048x8xf32>
    %get3A_10 = arith.constant 0 : index
    %get3A_11 = arith.constant 0 : index
    %get3A_12 = vector.load %arg3[%get3A_10, %get3A_11] : memref<1024x8xf32, #tpu.memory_space<vmem>>, vector<1024x8xf32>
    %dot_general3A_13 = arith.constant dense<0.000000e+00> : vector<2048x8xf32>
    %dot_general3A_14 = tpu.matmul %get3A_1, %get3A_12, %dot_general3A_13 {dimension_numbers = #tpu.dot_dimension_numbers<[1], [0], [0], [1], [0, 0, 1, 1], [], []>, transpose_lhs_hint = false} : vector<2048x1024xf32>, vector<1024x8xf32>, vector<2048x8xf32> -> vector<2048x8xf32>
    %get3A_15 = arith.constant 0 : index
    %get3A_16 = arith.constant 0 : index
    %get3A_17 = vector.load %arg4[%get3A_15, %get3A_16] : memref<1x8xf32, #tpu.memory_space<vmem>>, vector<1x8xf32>
    %add3A_18 = vector.broadcast %get3A_17 : vector<1x8xf32> to vector<2048x8xf32>
    %add3A_19 = arith.addf %dot_general3A_14, %add3A_18 : vector<2048x8xf32>
    %max3A = arith.constant 0.000000e+00 : f32
    %max3A_20 = vector.broadcast %max3A : f32 to vector<2048x8xf32>
    %max3A_21 = arith.maximumf %add3A_19, %max3A_20 : vector<2048x8xf32>
    %abs3A = math.absf %add3A_19 : vector<2048x8xf32>
    %neg3A = arith.constant 0.000000e+00 : f32
    %neg3A_22 = vector.broadcast %neg3A : f32 to vector<2048x8xf32>
    %neg3A_23 = arith.subf %neg3A_22, %abs3A : vector<2048x8xf32>
    %exp3A = math.exp %neg3A_23 : vector<2048x8xf32>
    %log1p3A = math.log1p %exp3A : vector<2048x8xf32>
    %add3A_24 = arith.addf %max3A_21, %log1p3A : vector<2048x8xf32>
    %get3A_25 = arith.constant 0 : index
    %get3A_26 = arith.constant 0 : index
    %get3A_27 = vector.load %arg5[%get3A_25, %get3A_26] : memref<2048x8xf32, #tpu.memory_space<vmem>>, vector<2048x8xf32>
    %mul3A = arith.mulf %get3A_27, %add3A_24 : vector<2048x8xf32>
    %add3A_28 = arith.addf %add3A_9, %mul3A : vector<2048x8xf32>
    %iota3A = tpu.iota {dimensions = array<i32: 1>} : vector<2048x8xi32>
    %convert_element_type3A = arith.sitofp %iota3A : vector<2048x8xi32> to vector<2048x8xf32>
    %reduce_max3A = arith.constant dense<0xFF800000> : vector<2048xf32>
    %reduce_max3A_29 = vector.multi_reduction <maximumf>, %add3A_28, %reduce_max3A [1] : vector<2048x8xf32> to vector<2048xf32>
    %broadcast_in_dim3A = vector.shape_cast %reduce_max3A_29 : vector<2048xf32> to vector<2048x1xf32>
    %eq3A = vector.broadcast %broadcast_in_dim3A : vector<2048x1xf32> to vector<2048x8xf32>
    %eq3A_30 = arith.cmpf oeq, %add3A_28, %eq3A : vector<2048x8xf32>
    %jit3A = arith.constant 8.000000e+00 : f32
    %broadcast_in_dim3A_31 = vector.broadcast %jit3A : f32 to vector<2048x8xf32>
    %select_n3A = arith.select %eq3A_30, %convert_element_type3A, %broadcast_in_dim3A_31 : vector<2048x8xi1>, vector<2048x8xf32>
    %reduce_min3A = arith.constant dense<0x7F800000> : vector<2048xf32>
    %reduce_min3A_32 = vector.multi_reduction <minimumf>, %select_n3A, %reduce_min3A [1] : vector<2048x8xf32> to vector<2048xf32>
    %broadcast_in_dim3A_33 = vector.shape_cast %reduce_min3A_32 : vector<2048xf32> to vector<2048x1xf32>
    %eq3A_34 = vector.broadcast %broadcast_in_dim3A_33 : vector<2048x1xf32> to vector<2048x8xf32>
    %eq3A_35 = arith.cmpf oeq, %convert_element_type3A, %eq3A_34 : vector<2048x8xf32>
    %jit3A_36 = arith.constant 0xFF800000 : f32
    %broadcast_in_dim3A_37 = vector.broadcast %jit3A_36 : f32 to vector<2048x8xf32>
    %select_n3A_38 = arith.select %eq3A_35, %broadcast_in_dim3A_37, %add3A_28 : vector<2048x8xi1>, vector<2048x8xf32>
    %reduce_max3A_39 = arith.constant dense<0xFF800000> : vector<2048xf32>
    %reduce_max3A_40 = vector.multi_reduction <maximumf>, %select_n3A_38, %reduce_max3A_39 [1] : vector<2048x8xf32> to vector<2048xf32>
    %broadcast_in_dim3A_41 = vector.shape_cast %reduce_max3A_40 : vector<2048xf32> to vector<2048x1xf32>
    %eq3A_42 = vector.broadcast %broadcast_in_dim3A_41 : vector<2048x1xf32> to vector<2048x8xf32>
    %eq3A_43 = arith.cmpf oeq, %select_n3A_38, %eq3A_42 : vector<2048x8xf32>
    %jit3A_44 = arith.constant 8.000000e+00 : f32
    %broadcast_in_dim3A_45 = vector.broadcast %jit3A_44 : f32 to vector<2048x8xf32>
    %select_n3A_46 = arith.select %eq3A_43, %convert_element_type3A, %broadcast_in_dim3A_45 : vector<2048x8xi1>, vector<2048x8xf32>
    %reduce_min3A_47 = arith.constant dense<0x7F800000> : vector<2048xf32>
    %reduce_min3A_48 = vector.multi_reduction <minimumf>, %select_n3A_46, %reduce_min3A_47 [1] : vector<2048x8xf32> to vector<2048xf32>
    %broadcast_in_dim3A_49 = vector.shape_cast %reduce_min3A_48 : vector<2048xf32> to vector<2048x1xf32>
    %sub3A = arith.subf %broadcast_in_dim3A_41, %broadcast_in_dim3A : vector<2048x1xf32>
    %exp3A_50 = math.exp %sub3A : vector<2048x1xf32>
    %add3A_51 = arith.constant 1.000000e+00 : f32
    %add3A_52 = vector.broadcast %add3A_51 : f32 to vector<2048x1xf32>
    %add3A_53 = arith.addf %add3A_52, %exp3A_50 : vector<2048x1xf32>
    %div3A = arith.constant 1.000000e+00 : f32
    %div3A_54 = vector.broadcast %div3A : f32 to vector<2048x1xf32>
    %div3A_55 = arith.divf %div3A_54, %add3A_53 : vector<2048x1xf32>
    %sub3A_56 = arith.subf %broadcast_in_dim3A, %broadcast_in_dim3A_41 : vector<2048x1xf32>
    %exp3A_57 = math.exp %sub3A_56 : vector<2048x1xf32>
    %add3A_58 = arith.constant 1.000000e+00 : f32
    %add3A_59 = vector.broadcast %add3A_58 : f32 to vector<2048x1xf32>
    %add3A_60 = arith.addf %add3A_59, %exp3A_57 : vector<2048x1xf32>
    %div3A_61 = arith.constant 1.000000e+00 : f32
    %div3A_62 = vector.broadcast %div3A_61 : f32 to vector<2048x1xf32>
    %div3A_63 = arith.divf %div3A_62, %add3A_60 : vector<2048x1xf32>
    %eq3A_64 = vector.broadcast %broadcast_in_dim3A_33 : vector<2048x1xf32> to vector<2048x8xf32>
    %eq3A_65 = arith.cmpf oeq, %convert_element_type3A, %eq3A_64 : vector<2048x8xf32>
    %eq3A_66 = vector.broadcast %broadcast_in_dim3A_49 : vector<2048x1xf32> to vector<2048x8xf32>
    %eq3A_67 = arith.cmpf oeq, %convert_element_type3A, %eq3A_66 : vector<2048x8xf32>
    %or3A = arith.ori %eq3A_65, %eq3A_67 : vector<2048x8xi1>
    %convert_element_type3A_68 = arith.extui %or3A : vector<2048x8xi1> to vector<2048x8xi32>
    %convert_element_type3A_69 = arith.sitofp %convert_element_type3A_68 : vector<2048x8xi32> to vector<2048x8xf32>
    %iota3A_70 = tpu.iota {dimensions = array<i32: 0>} : vector<128x128xi32>
    %convert_element_type3A_71 = arith.sitofp %iota3A_70 : vector<128x128xi32> to vector<128x128xf32>
    %iota3A_72 = tpu.iota {dimensions = array<i32: 1>} : vector<128x128xi32>
    %convert_element_type3A_73 = arith.sitofp %iota3A_72 : vector<128x128xi32> to vector<128x128xf32>
    %lt3A = arith.cmpf olt, %convert_element_type3A_73, %convert_element_type3A_71 : vector<128x128xf32>
    %convert_element_type3A_74 = arith.extui %lt3A : vector<128x128xi1> to vector<128x128xi32>
    %convert_element_type3A_75 = arith.sitofp %convert_element_type3A_74 : vector<128x128xi32> to vector<128x128xf32>
    %broadcast_in_dim3A_76 = arith.constant 0.000000e+00 : f32
    %broadcast_in_dim3A_77 = vector.broadcast %broadcast_in_dim3A_76 : f32 to vector<1x8xf32>
    %slice3A = vector.extract_strided_slice %convert_element_type3A_69 {offsets = [0, 0], sizes = [128, 8], strides = [1, 1]} : vector<2048x8xf32> to vector<128x8xf32>
    %dot_general3A_78 = arith.constant dense<0.000000e+00> : vector<128x8xf32>
    %dot_general3A_79 = tpu.matmul %convert_element_type3A_75, %slice3A, %dot_general3A_78 {dimension_numbers = #tpu.dot_dimension_numbers<[1], [0], [0], [1], [0, 0, 1, 1], [], []>, precision = #tpu.contract_precision<fp32>, transpose_lhs_hint = false} : vector<128x128xf32>, vector<128x8xf32>, vector<128x8xf32> -> vector<128x8xf32>
    %add3A_80 = vector.broadcast %broadcast_in_dim3A_77 : vector<1x8xf32> to vector<128x8xf32>
    %add3A_81 = arith.addf %dot_general3A_79, %add3A_80 : vector<128x8xf32>
    %reduce_sum3A = arith.constant dense<0.000000e+00> : vector<8xf32>
    %reduce_sum3A_82 = vector.multi_reduction <add>, %slice3A, %reduce_sum3A [0] : vector<128x8xf32> to vector<8xf32>
    %broadcast_in_dim3A_83 = vector.shape_cast %reduce_sum3A_82 : vector<8xf32> to vector<1x8xf32>
    %add3A_84 = arith.addf %broadcast_in_dim3A_77, %broadcast_in_dim3A_83 : vector<1x8xf32>
    %slice3A_85 = vector.extract_strided_slice %convert_element_type3A_69 {offsets = [128, 0], sizes = [128, 8], strides = [1, 1]} : vector<2048x8xf32> to vector<128x8xf32>
    %dot_general3A_86 = arith.constant dense<0.000000e+00> : vector<128x8xf32>
    %dot_general3A_87 = tpu.matmul %convert_element_type3A_75, %slice3A_85, %dot_general3A_86 {dimension_numbers = #tpu.dot_dimension_numbers<[1], [0], [0], [1], [0, 0, 1, 1], [], []>, precision = #tpu.contract_precision<fp32>, transpose_lhs_hint = false} : vector<128x128xf32>, vector<128x8xf32>, vector<128x8xf32> -> vector<128x8xf32>
    %add3A_88 = vector.broadcast %add3A_84 : vector<1x8xf32> to vector<128x8xf32>
    %add3A_89 = arith.addf %dot_general3A_87, %add3A_88 : vector<128x8xf32>
    %reduce_sum3A_90 = arith.constant dense<0.000000e+00> : vector<8xf32>
    %reduce_sum3A_91 = vector.multi_reduction <add>, %slice3A_85, %reduce_sum3A_90 [0] : vector<128x8xf32> to vector<8xf32>
    %broadcast_in_dim3A_92 = vector.shape_cast %reduce_sum3A_91 : vector<8xf32> to vector<1x8xf32>
    %add3A_93 = arith.addf %add3A_84, %broadcast_in_dim3A_92 : vector<1x8xf32>
    %slice3A_94 = vector.extract_strided_slice %convert_element_type3A_69 {offsets = [256, 0], sizes = [128, 8], strides = [1, 1]} : vector<2048x8xf32> to vector<128x8xf32>
    %dot_general3A_95 = arith.constant dense<0.000000e+00> : vector<128x8xf32>
    %dot_general3A_96 = tpu.matmul %convert_element_type3A_75, %slice3A_94, %dot_general3A_95 {dimension_numbers = #tpu.dot_dimension_numbers<[1], [0], [0], [1], [0, 0, 1, 1], [], []>, precision = #tpu.contract_precision<fp32>, transpose_lhs_hint = false} : vector<128x128xf32>, vector<128x8xf32>, vector<128x8xf32> -> vector<128x8xf32>
    %add3A_97 = vector.broadcast %add3A_93 : vector<1x8xf32> to vector<128x8xf32>
    %add3A_98 = arith.addf %dot_general3A_96, %add3A_97 : vector<128x8xf32>
    %reduce_sum3A_99 = arith.constant dense<0.000000e+00> : vector<8xf32>
    %reduce_sum3A_100 = vector.multi_reduction <add>, %slice3A_94, %reduce_sum3A_99 [0] : vector<128x8xf32> to vector<8xf32>
    %broadcast_in_dim3A_101 = vector.shape_cast %reduce_sum3A_100 : vector<8xf32> to vector<1x8xf32>
    %add3A_102 = arith.addf %add3A_93, %broadcast_in_dim3A_101 : vector<1x8xf32>
    %slice3A_103 = vector.extract_strided_slice %convert_element_type3A_69 {offsets = [384, 0], sizes = [128, 8], strides = [1, 1]} : vector<2048x8xf32> to vector<128x8xf32>
    %dot_general3A_104 = arith.constant dense<0.000000e+00> : vector<128x8xf32>
    %dot_general3A_105 = tpu.matmul %convert_element_type3A_75, %slice3A_103, %dot_general3A_104 {dimension_numbers = #tpu.dot_dimension_numbers<[1], [0], [0], [1], [0, 0, 1, 1], [], []>, precision = #tpu.contract_precision<fp32>, transpose_lhs_hint = false} : vector<128x128xf32>, vector<128x8xf32>, vector<128x8xf32> -> vector<128x8xf32>
    %add3A_106 = vector.broadcast %add3A_102 : vector<1x8xf32> to vector<128x8xf32>
    %add3A_107 = arith.addf %dot_general3A_105, %add3A_106 : vector<128x8xf32>
    %reduce_sum3A_108 = arith.constant dense<0.000000e+00> : vector<8xf32>
    %reduce_sum3A_109 = vector.multi_reduction <add>, %slice3A_103, %reduce_sum3A_108 [0] : vector<128x8xf32> to vector<8xf32>
    %broadcast_in_dim3A_110 = vector.shape_cast %reduce_sum3A_109 : vector<8xf32> to vector<1x8xf32>
    %add3A_111 = arith.addf %add3A_102, %broadcast_in_dim3A_110 : vector<1x8xf32>
    %slice3A_112 = vector.extract_strided_slice %convert_element_type3A_69 {offsets = [512, 0], sizes = [128, 8], strides = [1, 1]} : vector<2048x8xf32> to vector<128x8xf32>
    %dot_general3A_113 = arith.constant dense<0.000000e+00> : vector<128x8xf32>
    %dot_general3A_114 = tpu.matmul %convert_element_type3A_75, %slice3A_112, %dot_general3A_113 {dimension_numbers = #tpu.dot_dimension_numbers<[1], [0], [0], [1], [0, 0, 1, 1], [], []>, precision = #tpu.contract_precision<fp32>, transpose_lhs_hint = false} : vector<128x128xf32>, vector<128x8xf32>, vector<128x8xf32> -> vector<128x8xf32>
    %add3A_115 = vector.broadcast %add3A_111 : vector<1x8xf32> to vector<128x8xf32>
    %add3A_116 = arith.addf %dot_general3A_114, %add3A_115 : vector<128x8xf32>
    %reduce_sum3A_117 = arith.constant dense<0.000000e+00> : vector<8xf32>
    %reduce_sum3A_118 = vector.multi_reduction <add>, %slice3A_112, %reduce_sum3A_117 [0] : vector<128x8xf32> to vector<8xf32>
    %broadcast_in_dim3A_119 = vector.shape_cast %reduce_sum3A_118 : vector<8xf32> to vector<1x8xf32>
    %add3A_120 = arith.addf %add3A_111, %broadcast_in_dim3A_119 : vector<1x8xf32>
    %slice3A_121 = vector.extract_strided_slice %convert_element_type3A_69 {offsets = [640, 0], sizes = [128, 8], strides = [1, 1]} : vector<2048x8xf32> to vector<128x8xf32>
    %dot_general3A_122 = arith.constant dense<0.000000e+00> : vector<128x8xf32>
    %dot_general3A_123 = tpu.matmul %convert_element_type3A_75, %slice3A_121, %dot_general3A_122 {dimension_numbers = #tpu.dot_dimension_numbers<[1], [0], [0], [1], [0, 0, 1, 1], [], []>, precision = #tpu.contract_precision<fp32>, transpose_lhs_hint = false} : vector<128x128xf32>, vector<128x8xf32>, vector<128x8xf32> -> vector<128x8xf32>
    %add3A_124 = vector.broadcast %add3A_120 : vector<1x8xf32> to vector<128x8xf32>
    %add3A_125 = arith.addf %dot_general3A_123, %add3A_124 : vector<128x8xf32>
    %reduce_sum3A_126 = arith.constant dense<0.000000e+00> : vector<8xf32>
    %reduce_sum3A_127 = vector.multi_reduction <add>, %slice3A_121, %reduce_sum3A_126 [0] : vector<128x8xf32> to vector<8xf32>
    %broadcast_in_dim3A_128 = vector.shape_cast %reduce_sum3A_127 : vector<8xf32> to vector<1x8xf32>
    %add3A_129 = arith.addf %add3A_120, %broadcast_in_dim3A_128 : vector<1x8xf32>
    %slice3A_130 = vector.extract_strided_slice %convert_element_type3A_69 {offsets = [768, 0], sizes = [128, 8], strides = [1, 1]} : vector<2048x8xf32> to vector<128x8xf32>
    %dot_general3A_131 = arith.constant dense<0.000000e+00> : vector<128x8xf32>
    %dot_general3A_132 = tpu.matmul %convert_element_type3A_75, %slice3A_130, %dot_general3A_131 {dimension_numbers = #tpu.dot_dimension_numbers<[1], [0], [0], [1], [0, 0, 1, 1], [], []>, precision = #tpu.contract_precision<fp32>, transpose_lhs_hint = false} : vector<128x128xf32>, vector<128x8xf32>, vector<128x8xf32> -> vector<128x8xf32>
    %add3A_133 = vector.broadcast %add3A_129 : vector<1x8xf32> to vector<128x8xf32>
    %add3A_134 = arith.addf %dot_general3A_132, %add3A_133 : vector<128x8xf32>
    %reduce_sum3A_135 = arith.constant dense<0.000000e+00> : vector<8xf32>
    %reduce_sum3A_136 = vector.multi_reduction <add>, %slice3A_130, %reduce_sum3A_135 [0] : vector<128x8xf32> to vector<8xf32>
    %broadcast_in_dim3A_137 = vector.shape_cast %reduce_sum3A_136 : vector<8xf32> to vector<1x8xf32>
    %add3A_138 = arith.addf %add3A_129, %broadcast_in_dim3A_137 : vector<1x8xf32>
    %slice3A_139 = vector.extract_strided_slice %convert_element_type3A_69 {offsets = [896, 0], sizes = [128, 8], strides = [1, 1]} : vector<2048x8xf32> to vector<128x8xf32>
    %dot_general3A_140 = arith.constant dense<0.000000e+00> : vector<128x8xf32>
    %dot_general3A_141 = tpu.matmul %convert_element_type3A_75, %slice3A_139, %dot_general3A_140 {dimension_numbers = #tpu.dot_dimension_numbers<[1], [0], [0], [1], [0, 0, 1, 1], [], []>, precision = #tpu.contract_precision<fp32>, transpose_lhs_hint = false} : vector<128x128xf32>, vector<128x8xf32>, vector<128x8xf32> -> vector<128x8xf32>
    %add3A_142 = vector.broadcast %add3A_138 : vector<1x8xf32> to vector<128x8xf32>
    %add3A_143 = arith.addf %dot_general3A_141, %add3A_142 : vector<128x8xf32>
    %reduce_sum3A_144 = arith.constant dense<0.000000e+00> : vector<8xf32>
    %reduce_sum3A_145 = vector.multi_reduction <add>, %slice3A_139, %reduce_sum3A_144 [0] : vector<128x8xf32> to vector<8xf32>
    %broadcast_in_dim3A_146 = vector.shape_cast %reduce_sum3A_145 : vector<8xf32> to vector<1x8xf32>
    %add3A_147 = arith.addf %add3A_138, %broadcast_in_dim3A_146 : vector<1x8xf32>
    %slice3A_148 = vector.extract_strided_slice %convert_element_type3A_69 {offsets = [1024, 0], sizes = [128, 8], strides = [1, 1]} : vector<2048x8xf32> to vector<128x8xf32>
    %dot_general3A_149 = arith.constant dense<0.000000e+00> : vector<128x8xf32>
    %dot_general3A_150 = tpu.matmul %convert_element_type3A_75, %slice3A_148, %dot_general3A_149 {dimension_numbers = #tpu.dot_dimension_numbers<[1], [0], [0], [1], [0, 0, 1, 1], [], []>, precision = #tpu.contract_precision<fp32>, transpose_lhs_hint = false} : vector<128x128xf32>, vector<128x8xf32>, vector<128x8xf32> -> vector<128x8xf32>
    %add3A_151 = vector.broadcast %add3A_147 : vector<1x8xf32> to vector<128x8xf32>
    %add3A_152 = arith.addf %dot_general3A_150, %add3A_151 : vector<128x8xf32>
    %reduce_sum3A_153 = arith.constant dense<0.000000e+00> : vector<8xf32>
    %reduce_sum3A_154 = vector.multi_reduction <add>, %slice3A_148, %reduce_sum3A_153 [0] : vector<128x8xf32> to vector<8xf32>
    %broadcast_in_dim3A_155 = vector.shape_cast %reduce_sum3A_154 : vector<8xf32> to vector<1x8xf32>
    %add3A_156 = arith.addf %add3A_147, %broadcast_in_dim3A_155 : vector<1x8xf32>
    %slice3A_157 = vector.extract_strided_slice %convert_element_type3A_69 {offsets = [1152, 0], sizes = [128, 8], strides = [1, 1]} : vector<2048x8xf32> to vector<128x8xf32>
    %dot_general3A_158 = arith.constant dense<0.000000e+00> : vector<128x8xf32>
    %dot_general3A_159 = tpu.matmul %convert_element_type3A_75, %slice3A_157, %dot_general3A_158 {dimension_numbers = #tpu.dot_dimension_numbers<[1], [0], [0], [1], [0, 0, 1, 1], [], []>, precision = #tpu.contract_precision<fp32>, transpose_lhs_hint = false} : vector<128x128xf32>, vector<128x8xf32>, vector<128x8xf32> -> vector<128x8xf32>
    %add3A_160 = vector.broadcast %add3A_156 : vector<1x8xf32> to vector<128x8xf32>
    %add3A_161 = arith.addf %dot_general3A_159, %add3A_160 : vector<128x8xf32>
    %reduce_sum3A_162 = arith.constant dense<0.000000e+00> : vector<8xf32>
    %reduce_sum3A_163 = vector.multi_reduction <add>, %slice3A_157, %reduce_sum3A_162 [0] : vector<128x8xf32> to vector<8xf32>
    %broadcast_in_dim3A_164 = vector.shape_cast %reduce_sum3A_163 : vector<8xf32> to vector<1x8xf32>
    %add3A_165 = arith.addf %add3A_156, %broadcast_in_dim3A_164 : vector<1x8xf32>
    %slice3A_166 = vector.extract_strided_slice %convert_element_type3A_69 {offsets = [1280, 0], sizes = [128, 8], strides = [1, 1]} : vector<2048x8xf32> to vector<128x8xf32>
    %dot_general3A_167 = arith.constant dense<0.000000e+00> : vector<128x8xf32>
    %dot_general3A_168 = tpu.matmul %convert_element_type3A_75, %slice3A_166, %dot_general3A_167 {dimension_numbers = #tpu.dot_dimension_numbers<[1], [0], [0], [1], [0, 0, 1, 1], [], []>, precision = #tpu.contract_precision<fp32>, transpose_lhs_hint = false} : vector<128x128xf32>, vector<128x8xf32>, vector<128x8xf32> -> vector<128x8xf32>
    %add3A_169 = vector.broadcast %add3A_165 : vector<1x8xf32> to vector<128x8xf32>
    %add3A_170 = arith.addf %dot_general3A_168, %add3A_169 : vector<128x8xf32>
    %reduce_sum3A_171 = arith.constant dense<0.000000e+00> : vector<8xf32>
    %reduce_sum3A_172 = vector.multi_reduction <add>, %slice3A_166, %reduce_sum3A_171 [0] : vector<128x8xf32> to vector<8xf32>
    %broadcast_in_dim3A_173 = vector.shape_cast %reduce_sum3A_172 : vector<8xf32> to vector<1x8xf32>
    %add3A_174 = arith.addf %add3A_165, %broadcast_in_dim3A_173 : vector<1x8xf32>
    %slice3A_175 = vector.extract_strided_slice %convert_element_type3A_69 {offsets = [1408, 0], sizes = [128, 8], strides = [1, 1]} : vector<2048x8xf32> to vector<128x8xf32>
    %dot_general3A_176 = arith.constant dense<0.000000e+00> : vector<128x8xf32>
    %dot_general3A_177 = tpu.matmul %convert_element_type3A_75, %slice3A_175, %dot_general3A_176 {dimension_numbers = #tpu.dot_dimension_numbers<[1], [0], [0], [1], [0, 0, 1, 1], [], []>, precision = #tpu.contract_precision<fp32>, transpose_lhs_hint = false} : vector<128x128xf32>, vector<128x8xf32>, vector<128x8xf32> -> vector<128x8xf32>
    %add3A_178 = vector.broadcast %add3A_174 : vector<1x8xf32> to vector<128x8xf32>
    %add3A_179 = arith.addf %dot_general3A_177, %add3A_178 : vector<128x8xf32>
    %reduce_sum3A_180 = arith.constant dense<0.000000e+00> : vector<8xf32>
    %reduce_sum3A_181 = vector.multi_reduction <add>, %slice3A_175, %reduce_sum3A_180 [0] : vector<128x8xf32> to vector<8xf32>
    %broadcast_in_dim3A_182 = vector.shape_cast %reduce_sum3A_181 : vector<8xf32> to vector<1x8xf32>
    %add3A_183 = arith.addf %add3A_174, %broadcast_in_dim3A_182 : vector<1x8xf32>
    %slice3A_184 = vector.extract_strided_slice %convert_element_type3A_69 {offsets = [1536, 0], sizes = [128, 8], strides = [1, 1]} : vector<2048x8xf32> to vector<128x8xf32>
    %dot_general3A_185 = arith.constant dense<0.000000e+00> : vector<128x8xf32>
    %dot_general3A_186 = tpu.matmul %convert_element_type3A_75, %slice3A_184, %dot_general3A_185 {dimension_numbers = #tpu.dot_dimension_numbers<[1], [0], [0], [1], [0, 0, 1, 1], [], []>, precision = #tpu.contract_precision<fp32>, transpose_lhs_hint = false} : vector<128x128xf32>, vector<128x8xf32>, vector<128x8xf32> -> vector<128x8xf32>
    %add3A_187 = vector.broadcast %add3A_183 : vector<1x8xf32> to vector<128x8xf32>
    %add3A_188 = arith.addf %dot_general3A_186, %add3A_187 : vector<128x8xf32>
    %reduce_sum3A_189 = arith.constant dense<0.000000e+00> : vector<8xf32>
    %reduce_sum3A_190 = vector.multi_reduction <add>, %slice3A_184, %reduce_sum3A_189 [0] : vector<128x8xf32> to vector<8xf32>
    %broadcast_in_dim3A_191 = vector.shape_cast %reduce_sum3A_190 : vector<8xf32> to vector<1x8xf32>
    %add3A_192 = arith.addf %add3A_183, %broadcast_in_dim3A_191 : vector<1x8xf32>
    %slice3A_193 = vector.extract_strided_slice %convert_element_type3A_69 {offsets = [1664, 0], sizes = [128, 8], strides = [1, 1]} : vector<2048x8xf32> to vector<128x8xf32>
    %dot_general3A_194 = arith.constant dense<0.000000e+00> : vector<128x8xf32>
    %dot_general3A_195 = tpu.matmul %convert_element_type3A_75, %slice3A_193, %dot_general3A_194 {dimension_numbers = #tpu.dot_dimension_numbers<[1], [0], [0], [1], [0, 0, 1, 1], [], []>, precision = #tpu.contract_precision<fp32>, transpose_lhs_hint = false} : vector<128x128xf32>, vector<128x8xf32>, vector<128x8xf32> -> vector<128x8xf32>
    %add3A_196 = vector.broadcast %add3A_192 : vector<1x8xf32> to vector<128x8xf32>
    %add3A_197 = arith.addf %dot_general3A_195, %add3A_196 : vector<128x8xf32>
    %reduce_sum3A_198 = arith.constant dense<0.000000e+00> : vector<8xf32>
    %reduce_sum3A_199 = vector.multi_reduction <add>, %slice3A_193, %reduce_sum3A_198 [0] : vector<128x8xf32> to vector<8xf32>
    %broadcast_in_dim3A_200 = vector.shape_cast %reduce_sum3A_199 : vector<8xf32> to vector<1x8xf32>
    %add3A_201 = arith.addf %add3A_192, %broadcast_in_dim3A_200 : vector<1x8xf32>
    %slice3A_202 = vector.extract_strided_slice %convert_element_type3A_69 {offsets = [1792, 0], sizes = [128, 8], strides = [1, 1]} : vector<2048x8xf32> to vector<128x8xf32>
    %dot_general3A_203 = arith.constant dense<0.000000e+00> : vector<128x8xf32>
    %dot_general3A_204 = tpu.matmul %convert_element_type3A_75, %slice3A_202, %dot_general3A_203 {dimension_numbers = #tpu.dot_dimension_numbers<[1], [0], [0], [1], [0, 0, 1, 1], [], []>, precision = #tpu.contract_precision<fp32>, transpose_lhs_hint = false} : vector<128x128xf32>, vector<128x8xf32>, vector<128x8xf32> -> vector<128x8xf32>
    %add3A_205 = vector.broadcast %add3A_201 : vector<1x8xf32> to vector<128x8xf32>
    %add3A_206 = arith.addf %dot_general3A_204, %add3A_205 : vector<128x8xf32>
    %reduce_sum3A_207 = arith.constant dense<0.000000e+00> : vector<8xf32>
    %reduce_sum3A_208 = vector.multi_reduction <add>, %slice3A_202, %reduce_sum3A_207 [0] : vector<128x8xf32> to vector<8xf32>
    %broadcast_in_dim3A_209 = vector.shape_cast %reduce_sum3A_208 : vector<8xf32> to vector<1x8xf32>
    %add3A_210 = arith.addf %add3A_201, %broadcast_in_dim3A_209 : vector<1x8xf32>
    %slice3A_211 = vector.extract_strided_slice %convert_element_type3A_69 {offsets = [1920, 0], sizes = [128, 8], strides = [1, 1]} : vector<2048x8xf32> to vector<128x8xf32>
    %dot_general3A_212 = arith.constant dense<0.000000e+00> : vector<128x8xf32>
    %dot_general3A_213 = tpu.matmul %convert_element_type3A_75, %slice3A_211, %dot_general3A_212 {dimension_numbers = #tpu.dot_dimension_numbers<[1], [0], [0], [1], [0, 0, 1, 1], [], []>, precision = #tpu.contract_precision<fp32>, transpose_lhs_hint = false} : vector<128x128xf32>, vector<128x8xf32>, vector<128x8xf32> -> vector<128x8xf32>
    %add3A_214 = vector.broadcast %add3A_210 : vector<1x8xf32> to vector<128x8xf32>
    %add3A_215 = arith.addf %dot_general3A_213, %add3A_214 : vector<128x8xf32>
    %concatenate3A = tpu.concatenate %add3A_81, %add3A_89, %add3A_98, %add3A_107, %add3A_116, %add3A_125, %add3A_134, %add3A_143, %add3A_152, %add3A_161, %add3A_170, %add3A_179, %add3A_188, %add3A_197, %add3A_206, %add3A_215 in 0 : vector<128x8xf32>, vector<128x8xf32>, vector<128x8xf32>, vector<128x8xf32>, vector<128x8xf32>, vector<128x8xf32>, vector<128x8xf32>, vector<128x8xf32>, vector<128x8xf32>, vector<128x8xf32>, vector<128x8xf32>, vector<128x8xf32>, vector<128x8xf32>, vector<128x8xf32>, vector<128x8xf32>, vector<128x8xf32> -> vector<2048x8xf32>
    %eq3A_216 = vector.broadcast %broadcast_in_dim3A_33 : vector<2048x1xf32> to vector<2048x8xf32>
    %eq3A_217 = arith.cmpf oeq, %convert_element_type3A, %eq3A_216 : vector<2048x8xf32>
    %jit3A_218 = arith.constant -1.000000e+00 : f32
    %broadcast_in_dim3A_219 = vector.broadcast %jit3A_218 : f32 to vector<2048x8xf32>
    %select_n3A_220 = arith.select %eq3A_217, %concatenate3A, %broadcast_in_dim3A_219 : vector<2048x8xi1>, vector<2048x8xf32>
    %reduce_max3A_221 = arith.constant dense<0xFF800000> : vector<2048xf32>
    %reduce_max3A_222 = vector.multi_reduction <maximumf>, %select_n3A_220, %reduce_max3A_221 [1] : vector<2048x8xf32> to vector<2048xf32>
    %broadcast_in_dim3A_223 = vector.shape_cast %reduce_max3A_222 : vector<2048xf32> to vector<2048x1xf32>
    %eq3A_224 = vector.broadcast %broadcast_in_dim3A_49 : vector<2048x1xf32> to vector<2048x8xf32>
    %eq3A_225 = arith.cmpf oeq, %convert_element_type3A, %eq3A_224 : vector<2048x8xf32>
    %jit3A_226 = arith.constant -1.000000e+00 : f32
    %broadcast_in_dim3A_227 = vector.broadcast %jit3A_226 : f32 to vector<2048x8xf32>
    %select_n3A_228 = arith.select %eq3A_225, %concatenate3A, %broadcast_in_dim3A_227 : vector<2048x8xi1>, vector<2048x8xf32>
    %reduce_max3A_229 = arith.constant dense<0xFF800000> : vector<2048xf32>
    %reduce_max3A_230 = vector.multi_reduction <maximumf>, %select_n3A_228, %reduce_max3A_229 [1] : vector<2048x8xf32> to vector<2048xf32>
    %broadcast_in_dim3A_231 = vector.shape_cast %reduce_max3A_230 : vector<2048xf32> to vector<2048x1xf32>
    %lt3A_232 = arith.constant 5.120000e+02 : f32
    %lt3A_233 = vector.broadcast %lt3A_232 : f32 to vector<2048x1xf32>
    %lt3A_234 = arith.cmpf olt, %broadcast_in_dim3A_223, %lt3A_233 : vector<2048x1xf32>
    %mul3A_235 = arith.constant 5.120000e+02 : f32
    %mul3A_236 = vector.broadcast %mul3A_235 : f32 to vector<2048x1xf32>
    %mul3A_237 = arith.mulf %broadcast_in_dim3A_33, %mul3A_236 : vector<2048x1xf32>
    %add3A_238 = arith.addf %mul3A_237, %broadcast_in_dim3A_223 : vector<2048x1xf32>
    %jit3A_239 = arith.constant 4.096000e+03 : f32
    %broadcast_in_dim3A_240 = vector.broadcast %jit3A_239 : f32 to vector<2048x1xf32>
    %select_n3A_241 = arith.select %lt3A_234, %add3A_238, %broadcast_in_dim3A_240 : vector<2048x1xi1>, vector<2048x1xf32>
    %lt3A_242 = arith.constant 5.120000e+02 : f32
    %lt3A_243 = vector.broadcast %lt3A_242 : f32 to vector<2048x1xf32>
    %lt3A_244 = arith.cmpf olt, %broadcast_in_dim3A_231, %lt3A_243 : vector<2048x1xf32>
    %mul3A_245 = arith.constant 5.120000e+02 : f32
    %mul3A_246 = vector.broadcast %mul3A_245 : f32 to vector<2048x1xf32>
    %mul3A_247 = arith.mulf %broadcast_in_dim3A_49, %mul3A_246 : vector<2048x1xf32>
    %add3A_248 = arith.addf %mul3A_247, %broadcast_in_dim3A_231 : vector<2048x1xf32>
    %jit3A_249 = arith.constant 4.096000e+03 : f32
    %broadcast_in_dim3A_250 = vector.broadcast %jit3A_249 : f32 to vector<2048x1xf32>
    %select_n3A_251 = arith.select %lt3A_244, %add3A_248, %broadcast_in_dim3A_250 : vector<2048x1xi1>, vector<2048x1xf32>
    %mul3A_252 = arith.constant 5.120000e+02 : f32
    %mul3A_253 = vector.broadcast %mul3A_252 : f32 to vector<2048x1xf32>
    %mul3A_254 = arith.mulf %broadcast_in_dim3A_33, %mul3A_253 : vector<2048x1xf32>
    %min3A = arith.constant 5.110000e+02 : f32
    %min3A_255 = vector.broadcast %min3A : f32 to vector<2048x1xf32>
    %min3A_256 = arith.minimumf %broadcast_in_dim3A_223, %min3A_255 : vector<2048x1xf32>
    %add3A_257 = arith.addf %mul3A_254, %min3A_256 : vector<2048x1xf32>
    %mul3A_258 = arith.constant 5.120000e+02 : f32
    %mul3A_259 = vector.broadcast %mul3A_258 : f32 to vector<2048x1xf32>
    %mul3A_260 = arith.mulf %broadcast_in_dim3A_49, %mul3A_259 : vector<2048x1xf32>
    %min3A_261 = arith.constant 5.110000e+02 : f32
    %min3A_262 = vector.broadcast %min3A_261 : f32 to vector<2048x1xf32>
    %min3A_263 = arith.minimumf %broadcast_in_dim3A_231, %min3A_262 : vector<2048x1xf32>
    %add3A_264 = arith.addf %mul3A_260, %min3A_263 : vector<2048x1xf32>
    %lt3A_265 = arith.constant 5.120000e+02 : f32
    %lt3A_266 = vector.broadcast %lt3A_265 : f32 to vector<2048x1xf32>
    %lt3A_267 = arith.cmpf olt, %broadcast_in_dim3A_223, %lt3A_266 : vector<2048x1xf32>
    %jit3A_268 = arith.constant 0.000000e+00 : f32
    %broadcast_in_dim3A_269 = vector.broadcast %jit3A_268 : f32 to vector<2048x1xf32>
    %select_n3A_270 = arith.select %lt3A_267, %div3A_55, %broadcast_in_dim3A_269 : vector<2048x1xi1>, vector<2048x1xf32>
    %lt3A_271 = arith.constant 5.120000e+02 : f32
    %lt3A_272 = vector.broadcast %lt3A_271 : f32 to vector<2048x1xf32>
    %lt3A_273 = arith.cmpf olt, %broadcast_in_dim3A_231, %lt3A_272 : vector<2048x1xf32>
    %jit3A_274 = arith.constant 0.000000e+00 : f32
    %broadcast_in_dim3A_275 = vector.broadcast %jit3A_274 : f32 to vector<2048x1xf32>
    %select_n3A_276 = arith.select %lt3A_273, %div3A_63, %broadcast_in_dim3A_275 : vector<2048x1xi1>, vector<2048x1xf32>
    %iota3A_277 = tpu.iota {dimensions = array<i32: 1>} : vector<2048x128xi32>
    %eq3A_278 = arith.constant 0 : i32
    %eq3A_279 = vector.broadcast %eq3A_278 : i32 to vector<2048x128xi32>
    %eq3A_280 = arith.cmpi eq, %iota3A_277, %eq3A_279 : vector<2048x128xi32>
    %eq3A_281 = arith.constant 1 : i32
    %eq3A_282 = vector.broadcast %eq3A_281 : i32 to vector<2048x128xi32>
    %eq3A_283 = arith.cmpi eq, %iota3A_277, %eq3A_282 : vector<2048x128xi32>
    %eq3A_284 = arith.constant 2 : i32
    %eq3A_285 = vector.broadcast %eq3A_284 : i32 to vector<2048x128xi32>
    %eq3A_286 = arith.cmpi eq, %iota3A_277, %eq3A_285 : vector<2048x128xi32>
    %broadcast_in_dim3A_287 = vector.shape_cast %add3A_257 : vector<2048x1xf32> to vector<2048x1xf32>
    %broadcast_in_dim3A_288 = vector.broadcast %broadcast_in_dim3A_287 : vector<2048x1xf32> to vector<2048x128xf32>
    %broadcast_in_dim3A_289 = vector.shape_cast %add3A_264 : vector<2048x1xf32> to vector<2048x1xf32>
    %broadcast_in_dim3A_290 = vector.broadcast %broadcast_in_dim3A_289 : vector<2048x1xf32> to vector<2048x128xf32>
    %select_n3A_291 = arith.select %eq3A_286, %broadcast_in_dim3A_288, %broadcast_in_dim3A_290 : vector<2048x128xi1>, vector<2048x128xf32>
    %broadcast_in_dim3A_292 = vector.shape_cast %select_n3A_251 : vector<2048x1xf32> to vector<2048x1xf32>
    %broadcast_in_dim3A_293 = vector.broadcast %broadcast_in_dim3A_292 : vector<2048x1xf32> to vector<2048x128xf32>
    %select_n3A_294 = arith.select %eq3A_283, %broadcast_in_dim3A_293, %select_n3A_291 : vector<2048x128xi1>, vector<2048x128xf32>
    %broadcast_in_dim3A_295 = vector.shape_cast %select_n3A_241 : vector<2048x1xf32> to vector<2048x1xf32>
    %broadcast_in_dim3A_296 = vector.broadcast %broadcast_in_dim3A_295 : vector<2048x1xf32> to vector<2048x128xf32>
    %select_n3A_297 = arith.select %eq3A_280, %broadcast_in_dim3A_296, %select_n3A_294 : vector<2048x128xi1>, vector<2048x128xf32>
    %convert_element_type3A_298 = arith.fptosi %select_n3A_297 : vector<2048x128xf32> to vector<2048x128xi32>
    %swap3A = arith.constant 0 : index
    %swap3A_299 = arith.constant 0 : index
    %swap3A_300 = vector.load %arg6[%swap3A, %swap3A_299] : memref<2048x128xi32, #tpu.memory_space<vmem>>, vector<2048x128xi32>
    tpu.vector_store %arg6[%swap3A, %swap3A_299], %convert_element_type3A_298 {strides = array<i32>} : memref<2048x128xi32, #tpu.memory_space<vmem>>, vector<2048x128xi32>,
    %lt3A_301 = arith.constant 16 : i32
    %lt3A_302 = vector.broadcast %lt3A_301 : i32 to vector<2048x128xi32>
    %lt3A_303 = arith.cmpi slt, %iota3A_277, %lt3A_302 : vector<2048x128xi32>
    %lt3A_304 = arith.constant 32 : i32
    %lt3A_305 = vector.broadcast %lt3A_304 : i32 to vector<2048x128xi32>
    %lt3A_306 = arith.cmpi slt, %iota3A_277, %lt3A_305 : vector<2048x128xi32>
    %jit3A_307 = arith.constant 0.000000e+00 : f32
    %broadcast_in_dim3A_308 = vector.shape_cast %select_n3A_276 : vector<2048x1xf32> to vector<2048x1xf32>
    %broadcast_in_dim3A_309 = vector.broadcast %broadcast_in_dim3A_308 : vector<2048x1xf32> to vector<2048x128xf32>
    %broadcast_in_dim3A_310 = vector.broadcast %jit3A_307 : f32 to vector<2048x128xf32>
    %select_n3A_311 = arith.select %lt3A_306, %broadcast_in_dim3A_309, %broadcast_in_dim3A_310 : vector<2048x128xi1>, vector<2048x128xf32>
    %broadcast_in_dim3A_312 = vector.shape_cast %select_n3A_270 : vector<2048x1xf32> to vector<2048x1xf32>
    %broadcast_in_dim3A_313 = vector.broadcast %broadcast_in_dim3A_312 : vector<2048x1xf32> to vector<2048x128xf32>
    %select_n3A_314 = arith.select %lt3A_303, %broadcast_in_dim3A_313, %select_n3A_311 : vector<2048x128xi1>, vector<2048x128xf32>
    %swap3A_315 = arith.constant 0 : index
    %swap3A_316 = arith.constant 0 : index
    %swap3A_317 = vector.load %arg7[%swap3A_315, %swap3A_316] : memref<2048x128xf32, #tpu.memory_space<vmem>>, vector<2048x128xf32>
    tpu.vector_store %arg7[%swap3A_315, %swap3A_316], %select_n3A_314 {strides = array<i32>} : memref<2048x128xf32, #tpu.memory_space<vmem>>, vector<2048x128xf32>,
    return
  }
}

module attributes {stable_mosaic.version = 14 : i64} {
  func.func @_ffn_body(%arg0: i32, %arg1: i32, %arg2: memref<512x1024xf32, #tpu.memory_space<vmem>>, %arg3: memref<1x1024x1024xf32, #tpu.memory_space<vmem>>, %arg4: memref<1x1x1024xf32, #tpu.memory_space<vmem>>, %arg5: memref<1x1024x1024xf32, #tpu.memory_space<vmem>>, %arg6: memref<1x1x1024xf32, #tpu.memory_space<vmem>>, %arg7: memref<512x1024xf32, #tpu.memory_space<vmem>>, %arg8: memref<512x1024xf32, #tpu.memory_space<vmem>>) attributes {dimension_semantics = [#tpu.dimension_semantics<arbitrary>, #tpu.dimension_semantics<arbitrary>], iteration_bounds = array<i64: 8, 4>, scalar_prefetch = 0 : i64, scratch_operands = 1 : i64, tpu.core_type = #tpu.core_type<tc>, window_params = [{transform_indices = @transform_0, window_bounds = array<i64: 512, 1024>}, {transform_indices = @transform_1, window_bounds = array<i64: 1, 1024, 1024>}, {transform_indices = @transform_2, window_bounds = array<i64: 1, 1, 1024>}, {transform_indices = @transform_3, window_bounds = array<i64: 1, 1024, 1024>}, {transform_indices = @transform_4, window_bounds = array<i64: 1, 1, 1024>}, {transform_indices = @transform_5, window_bounds = array<i64: 512, 1024>}]} {
    %get3A = arith.constant 0 : index
    %get3A_0 = arith.constant 0 : index
    %get3A_1 = vector.load %arg2[%get3A, %get3A_0] : memref<512x1024xf32, #tpu.memory_space<vmem>>, vector<512x1024xf32>
    %get3A_2 = arith.constant 0 : index
    %get3A_3 = arith.constant 0 : index
    %get3A_4 = arith.constant 0 : index
    %get3A_5 = vector.load %arg3[%get3A_2, %get3A_3, %get3A_4] : memref<1x1024x1024xf32, #tpu.memory_space<vmem>>, vector<1x1024x1024xf32>
    %get3A_6 = vector.shape_cast %get3A_5 : vector<1x1024x1024xf32> to vector<1024x1024xf32>
    %dot_general3A = arith.constant dense<0.000000e+00> : vector<512x1024xf32>
    %dot_general3A_7 = tpu.matmul %get3A_1, %get3A_6, %dot_general3A {dimension_numbers = #tpu.dot_dimension_numbers<[1], [0], [0], [1], [0, 0, 1, 1], [], []>, transpose_lhs_hint = false} : vector<512x1024xf32>, vector<1024x1024xf32>, vector<512x1024xf32> -> vector<512x1024xf32>
    %get3A_8 = arith.constant 0 : index
    %get3A_9 = arith.constant 0 : index
    %get3A_10 = arith.constant 0 : index
    %get3A_11 = vector.load %arg4[%get3A_8, %get3A_9, %get3A_10] : memref<1x1x1024xf32, #tpu.memory_space<vmem>>, vector<1x1x1024xf32>
    %get3A_12 = vector.shape_cast %get3A_11 : vector<1x1x1024xf32> to vector<1x1024xf32>
    %add3A = vector.broadcast %get3A_12 : vector<1x1024xf32> to vector<512x1024xf32>
    %add3A_13 = arith.addf %dot_general3A_7, %add3A : vector<512x1024xf32>
    %max3A = arith.constant 0.000000e+00 : f32
    %max3A_14 = vector.broadcast %max3A : f32 to vector<512x1024xf32>
    %max3A_15 = arith.maximumf %add3A_13, %max3A_14 : vector<512x1024xf32>
    %get3A_16 = arith.constant 0 : index
    %get3A_17 = arith.constant 0 : index
    %get3A_18 = arith.constant 0 : index
    %get3A_19 = vector.load %arg5[%get3A_16, %get3A_17, %get3A_18] : memref<1x1024x1024xf32, #tpu.memory_space<vmem>>, vector<1x1024x1024xf32>
    %get3A_20 = vector.shape_cast %get3A_19 : vector<1x1024x1024xf32> to vector<1024x1024xf32>
    %dot_general3A_21 = arith.constant dense<0.000000e+00> : vector<512x1024xf32>
    %dot_general3A_22 = tpu.matmul %max3A_15, %get3A_20, %dot_general3A_21 {dimension_numbers = #tpu.dot_dimension_numbers<[1], [0], [0], [1], [0, 0, 1, 1], [], []>, transpose_lhs_hint = false} : vector<512x1024xf32>, vector<1024x1024xf32>, vector<512x1024xf32> -> vector<512x1024xf32>
    %eq3A = arith.constant 0 : i32
    %eq3A_23 = arith.cmpi eq, %arg1, %eq3A : i32
    %convert_element_type3A = arith.extui %eq3A_23 : i1 to i32
    %cond3A = arith.constant 0 : i32
    %cond3A_24 = arith.cmpi ne, %convert_element_type3A, %cond3A : i32
    scf.if %cond3A_24 {
      %swap3A = arith.constant 0 : index
      %swap3A_34 = arith.constant 0 : index
      %swap3A_35 = vector.load %arg8[%swap3A, %swap3A_34] : memref<512x1024xf32, #tpu.memory_space<vmem>>, vector<512x1024xf32>
      tpu.vector_store %arg8[%swap3A, %swap3A_34], %dot_general3A_22 {strides = array<i32>} : memref<512x1024xf32, #tpu.memory_space<vmem>>, vector<512x1024xf32>,
    } else {
    }
    %gt3A = arith.constant 0 : i32
    %gt3A_25 = arith.cmpi sgt, %arg1, %gt3A : i32
    %convert_element_type3A_26 = arith.extui %gt3A_25 : i1 to i32
    %cond3A_27 = arith.constant 0 : i32
    %cond3A_28 = arith.cmpi ne, %convert_element_type3A_26, %cond3A_27 : i32
    scf.if %cond3A_28 {
      %get3A_34 = arith.constant 0 : index
      %get3A_35 = arith.constant 0 : index
      %get3A_36 = vector.load %arg8[%get3A_34, %get3A_35] : memref<512x1024xf32, #tpu.memory_space<vmem>>, vector<512x1024xf32>
      %add3A_37 = arith.addf %get3A_36, %dot_general3A_22 : vector<512x1024xf32>
      %swap3A = arith.constant 0 : index
      %swap3A_38 = arith.constant 0 : index
      %swap3A_39 = vector.load %arg8[%swap3A, %swap3A_38] : memref<512x1024xf32, #tpu.memory_space<vmem>>, vector<512x1024xf32>
      tpu.vector_store %arg8[%swap3A, %swap3A_38], %add3A_37 {strides = array<i32>} : memref<512x1024xf32, #tpu.memory_space<vmem>>, vector<512x1024xf32>,
    } else {
    }
    %eq3A_29 = arith.constant 3 : i32
    %eq3A_30 = arith.cmpi eq, %arg1, %eq3A_29 : i32
    %convert_element_type3A_31 = arith.extui %eq3A_30 : i1 to i32
    %cond3A_32 = arith.constant 0 : i32
    %cond3A_33 = arith.cmpi ne, %convert_element_type3A_31, %cond3A_32 : i32
    scf.if %cond3A_33 {
      %get3A_34 = arith.constant 0 : index
      %get3A_35 = arith.constant 0 : index
      %get3A_36 = vector.load %arg8[%get3A_34, %get3A_35] : memref<512x1024xf32, #tpu.memory_space<vmem>>, vector<512x1024xf32>
      %get3A_37 = arith.constant 0 : index
      %get3A_38 = arith.constant 0 : index
      %get3A_39 = arith.constant 0 : index
      %get3A_40 = vector.load %arg6[%get3A_37, %get3A_38, %get3A_39] : memref<1x1x1024xf32, #tpu.memory_space<vmem>>, vector<1x1x1024xf32>
      %get3A_41 = vector.shape_cast %get3A_40 : vector<1x1x1024xf32> to vector<1x1024xf32>
      %add3A_42 = vector.broadcast %get3A_41 : vector<1x1024xf32> to vector<512x1024xf32>
      %add3A_43 = arith.addf %get3A_36, %add3A_42 : vector<512x1024xf32>
      %swap3A = arith.constant 0 : index
      %swap3A_44 = arith.constant 0 : index
      %swap3A_45 = vector.load %arg7[%swap3A, %swap3A_44] : memref<512x1024xf32, #tpu.memory_space<vmem>>, vector<512x1024xf32>
      tpu.vector_store %arg7[%swap3A, %swap3A_44], %add3A_43 {strides = array<i32>} : memref<512x1024xf32, #tpu.memory_space<vmem>>, vector<512x1024xf32>,
    } else {
    }
    return
  }
  func.func @transform_0(%arg0: i32, %arg1: i32) -> (i32, i32) {
    %c0_i32 = arith.constant 0 : i32
    %c0_i32_0 = arith.constant 0 : i32
    return %arg0, %c0_i32 : i32, i32
  }
  func.func @transform_1(%arg0: i32, %arg1: i32) -> (i32, i32, i32) {
    %c0_i32 = arith.constant 0 : i32
    %c0_i32_0 = arith.constant 0 : i32
    return %arg0, %c0_i32, %arg1 : i32, i32, i32
  }
  func.func @transform_2(%arg0: i32, %arg1: i32) -> (i32, i32, i32) {
    %c0_i32 = arith.constant 0 : i32
    %c0_i32_0 = arith.constant 0 : i32
    return %arg0, %c0_i32, %arg1 : i32, i32, i32
  }
  func.func @transform_3(%arg0: i32, %arg1: i32) -> (i32, i32, i32) {
    %c0_i32 = arith.constant 0 : i32
    %c0_i32_0 = arith.constant 0 : i32
    return %arg0, %arg1, %c0_i32 : i32, i32, i32
  }
  func.func @transform_4(%arg0: i32, %arg1: i32) -> (i32, i32, i32) {
    %c0_i32 = arith.constant 0 : i32
    %c0_i32_0 = arith.constant 0 : i32
    %c0_i32_1 = arith.constant 0 : i32
    return %arg0, %c0_i32, %c0_i32_0 : i32, i32, i32
  }
  func.func @transform_5(%arg0: i32, %arg1: i32) -> (i32, i32) {
    %c0_i32 = arith.constant 0 : i32
    %c0_i32_0 = arith.constant 0 : i32
    return %arg0, %c0_i32 : i32, i32
  }
}

</mosaic_0001>

<sc_bundles>
// kernel: kernel.6.cloned.1.call-start
scs
__scs_entry_jumppad:
0x0: {  	(pc) =	sbr.rel $0x88, $3  }
0x1: {  	(tag) =	ssettag $0x0;
	lr =	simm.s32 $0x1  }
0x2: {  	[smem:$0x3F98] =	sst lr;
	_ =	strace $0xD0000000  }
0x3: {  	_ = 	snop  }
0x4: {  	_ = 	snop  }
0x5: {  	_ = 	snop  }
0x6: {  	_ = 	snop  }
0x7: {  	_ = 	snop  }
__scs_overlays_trampoline_lowered:
0x8: {  	[smem:$0x3FA7] =	sst s0  }
0x9: {  	[smem:$0x3FA8] =	sst s1  }
0xa: {  	[smem:$0x3FA9] =	sst s2  }
0xb: {  	[smem:$0x3FAA] =	sst s3  }
0xc: {  	[smem:$0x3FAB] =	sst s4  }
0xd: {  	[smem:$0x3FAC] =	sst s5  }
0xe: {  	[smem:$0x3FAD] =	sst s6  }
0xf: {  	[smem:$0x3FAE] =	sst s7  }
0x10: {  	[smem:$0x3FAF] =	sst s8  }
0x11: {  	[smem:$0x3FB0] =	sst s9;
	s0 =	simm.s32 @!p0 $0x0  }
0x12: {  	s1 =	sld [smem:$0x3F96];
	s0 =	simm.s32 @p0 $0x1  }
0x13: {  	[smem:$0x3FB1] =	sst s0;
	s0 =	simm.s32 @!p1 $0x0  }
0x14: {  	s2 =	sld [smem:$0x3F95];
	s0 =	simm.s32 @p1 $0x1  }
0x15: {  	[smem:$0x3FB2] =	sst s0;
	s0 =	simm.s32 @!p2 $0x0  }
0x16: {  	s3 =	sld [smem:$0x3FDB];
	s0 =	simm.s32 @p2 $0x1  }
0x17: {  	s4 =	simm.s32 $0x1BF5;
	[smem:$0x3FB4] =	sst s0  }
0x18: {  	s0 =	sld [smem:$0x3F97];
	_ =	swait.ge [sflag:s4], $0x0  }
0x19: {  	s7 =	sld [smem:$0x3F98]  }
0x1a: {  	s8 =	sadd.s32 $0xFFFFE003, lr  }
0x1b: {  	s9 =	sadd.s32 $0xFFFFFEF7, lr;
	s5 =	simm.s32 $0xFFFFFFFF;
	p2 =	slt.u32 s8, $0xFFFFF086  }
0x1c: {  	p1 =	slt.u32 s9, $0xF7A;
	s5 =	simm.s32 @!p2 $0x0  }
0x1d: {  	s5 =	simm.s32 @p1 $0x1;
	p0 =	seq.s32 s7, s2  }
0x1e: {  	s7 =	smul.u32 @!p0 $0xF7A, s2;
	p2 =	seq.s32 @!p0 s5, $0x0  }
0x1f: {  	s9 =	smul.u32 $0xF7A, s1;
	s8 =	simm.s32 @!p0 $0x1BF5;
	p2 =	por !p2, p0  }
0x20: {  	[sflag:s8] =	ssyncset.s32 @!p0 $0xFFFFF086;
	s6 =	sadd.s32 @!p0 s3, s7;
	s7 =	simm.s32 @!p0 $0x108  }
0x21: {  	s3 =	sadd.s32 s3, s9;
	s6 =	sadd.s32 @!p0 $0x88, s6;
	s7 =	simm.s32 @p2 $0x1082  }
0x22: {  	[simem:s7], [sflag:s8] =	dma.local @!p0 [hbm:s6], $0xF7A  }
0x23: {  	s9 =	sor.u32 $0xD0000000, s2;
	s6 =	simm.s32 $0x108;
	_ =	swait.ge @!p0 [sflag:s8], $0x0  }
0x24: {  	s3 =	sadd.s32 $0x88, s3;
	s6 =	simm.s32 @!p1 $0x1082;
	[sflag:s4] =	ssyncset.s32 $0xFFFFF086  }
0x25: {  	[simem:s6], [sflag:s4] =	dma.local [hbm:s3], $0xF7A  }
0x26: {  	[smem:$0x3F98] =	sst s1;
	(tag) =	ssettag s2;
	_ =	strace s9  }
0x27: {  	s1 =	sld [smem:$0x3FA8]  }
0x28: {  	s2 =	sld [smem:$0x3FA9]  }
0x29: {  	s4 =	sld [smem:$0x3FAB]  }
0x2a: {  	p0 =	seq.s32 s5, $0x0;
	s5 =	sld [smem:$0x3FAC]  }
0x2b: {  	s6 =	sld [smem:$0x3FAD]  }
0x2c: {  	s7 =	sld [smem:$0x3FAE]  }
0x2d: {  	s3 =	simm.s32 $0x108;
	s8 =	sld [smem:$0x3FAF]  }
0x2e: {  	s3 =	simm.s32 @!p0 $0x1082;
	s9 =	sld [smem:$0x3FB0]  }
0x2f: {  	lr =	sadd.s32 s0, s3;
	s0 =	sld [smem:$0x3FA7]  }
0x30: {  	s3 =	sld [smem:$0x3FAA]  }
0x31: {  	[smem:$0x3FB3] =	sst s10  }
0x32: {  	s10 =	sld [smem:$0x3FB1];
	_ =	sdelay $0x3  }
0x33: {  	p0 =	seq.s32 s10, $0x1;
	s10 =	sld [smem:$0x3FB3];
	_ =	sdelay $0x3  }
0x34: {  	[smem:$0x3FB3] =	sst s10  }
0x35: {  	s10 =	sld [smem:$0x3FB2];
	_ =	sdelay $0x3  }
0x36: {  	p1 =	seq.s32 s10, $0x1;
	s10 =	sld [smem:$0x3FB3];
	_ =	sdelay $0x3  }
0x37: {  	[smem:$0x3FB3] =	sst s10  }
0x38: {  	s10 =	sld [smem:$0x3FB4]  }
0x39: {  	_ = 	snop;
	(pc) =	sbr.ind lr, $3  }
0x3a: {  	_ = 	snop  }
0x3b: {  	_ = 	snop  }
0x3c: {  	p2 =	seq.s32 s10, $0x1;
	s10 =	sld [smem:$0x3FB3]  }
0x3d: {  	_ =	shalt  }
0x3e: {  	_ =	shalt  }
0x3f: {  	_ =	shalt  }
0x40: {  	_ =	shalt  }
0x41: {  	_ =	shalt  }
0x42: {  	_ =	shalt  }
0x43: {  	_ =	shalt  }
0x44: {  	_ =	shalt  }
0x45: {  	_ =	shalt  }
0x46: {  	_ =	shalt  }
0x47: {  	_ =	shalt  }
0x48: {  	_ =	shalt  }
0x49: {  	_ =	shalt  }
0x4a: {  	_ =	shalt  }
0x4b: {  	_ =	shalt  }
0x4c: {  	_ =	shalt  }
0x4d: {  	_ =	shalt  }
0x4e: {  	_ =	shalt  }
0x4f: {  	_ =	shalt  }
0x50: {  	_ =	shalt  }
0x51: {  	_ =	shalt  }
0x52: {  	_ =	shalt  }
0x53: {  	_ =	shalt  }
0x54: {  	_ =	shalt  }
0x55: {  	_ =	shalt  }
0x56: {  	_ =	shalt  }
0x57: {  	_ =	shalt  }
0x58: {  	_ =	shalt  }
0x59: {  	_ =	shalt  }
0x5a: {  	_ =	shalt  }
0x5b: {  	_ =	shalt  }
0x5c: {  	_ =	shalt  }
0x5d: {  	_ =	shalt  }
0x5e: {  	_ =	shalt  }
0x5f: {  	_ =	shalt  }
0x60: {  	_ =	shalt  }
0x61: {  	_ =	shalt  }
0x62: {  	_ =	shalt  }
0x63: {  	_ =	shalt  }
0x64: {  	_ =	shalt  }
0x65: {  	_ =	shalt  }
0x66: {  	_ =	shalt  }
0x67: {  	_ =	shalt  }
0x68: {  	_ =	shalt  }
0x69: {  	_ =	shalt  }
0x6a: {  	_ =	shalt  }
0x6b: {  	_ =	shalt  }
0x6c: {  	_ =	shalt  }
0x6d: {  	_ =	shalt  }
0x6e: {  	_ =	shalt  }
0x6f: {  	_ =	shalt  }
0x70: {  	_ =	shalt  }
0x71: {  	_ =	shalt  }
0x72: {  	_ =	shalt  }
0x73: {  	_ =	shalt  }
0x74: {  	_ =	shalt  }
0x75: {  	_ =	shalt  }
0x76: {  	_ =	shalt  }
0x77: {  	_ =	shalt  }
0x78: {  	_ =	shalt  }
0x79: {  	_ =	shalt  }
0x7a: {  	_ =	shalt  }
0x7b: {  	_ =	shalt  }
0x7c: {  	_ =	shalt  }
0x7d: {  	_ =	shalt  }
0x7e: {  	_ =	shalt  }
0x7f: {  	_ =	shalt  }
0x80: {  	_ =	shalt  }
0x81: {  	_ =	shalt  }
0x82: {  	_ =	shalt  }
0x83: {  	_ =	shalt  }
0x84: {  	_ =	shalt  }
0x85: {  	_ =	shalt  }
0x86: {  	_ =	shalt  }
0x87: {  	_ =	shalt  }
.Lfunc_end0:
.L_simem_size_0:
called_computation_lowered:
.L_overlay_start_0:
0x88: {  	s2 =	sld [smem:$0x3FD9]  }
0x89: {  	s3 =	sld [smem:$0x3FFE];
	_ =	sdelay $0x1  }
0x8a: {  	s1 =	srdreg.scid  }
0x8b: {  	s0 =	sand.u32 $0x1, s1  }
0x8c: {  	s17 =	sshll.u32 s0, $0xA;
	s2 =	sadd.s32 s3, s2  }
0x8d: {  	s2 =	sadd.s32 s2, s17  }
0x8e: {  	[smem:$0x3FBF] =	sst s2  }
0x8f: {  	_ = 	snop  }
0x90: {  	s2 =	sld [smem:$0x3FC9]  }
0x91: {  	s18 =	sld [smem:$0x3FD0];
	(tm) =	ssettm $0x1  }
0x92: {  	s4 =	sld [smem:$0x3FFB];
	_ =	sdelay $0x3  }
0x93: {  	_ =	strace s4  }
0x94: {  	s4 =	sld [smem:$0x3FFC];
	_ =	sdelay $0x3  }
0x95: {  	_ =	strace s4  }
0x96: {  	s4 =	sld [smem:$0x3FFD];
	_ =	sdelay $0x3  }
0x97: {  	_ =	strace s4  }
0x98: {  	_ =	strace $0x8FFFFFFF  }
0x99: {  	s19 =	sld [smem:$0x3FDB];
	_ =	sdelay $0x1  }
0x9a: {  	s5 =	simm.s32 $_scs_section_size  }
0x9b: {  	s6 =	simm.s32 $_size__tile_overlayer_lowered;
	s7 =	simm.s32 $_tile_overlayer_lowered  }
0x9c: {  	s22 =	simm.s32 $0x1BFF;
	s21 =	sshll.u32 s7, $0x1;
	s4 =	sadd.s32 s5, s19  }
0x9d: {  	s8 =	simm.s32 $0x0;
	s20 =	sshll.u32 s6, $0x1;
	s6 =	sadd.s32 s21, s4  }
0x9e: {  	[timem:s8], [sflag:s22] =	dma.local [hbm:s6], s20  }
0x9f: {  	_ =	swait.ge [sflag:s22], s20  }
0xa0: {  	s5 =	ssub.s32 $0x0, s20;
	[sflag:s22] =	ssyncset.done $0x0  }
0xa1: {  	[sflag:s22] =	ssyncadd.s32 s5;
	_ =	sdelay $0x1  }
0xa2: {  	s23 =	simm.s32 $0x1B8B  }
0xa3: {  	_ =	swait.ge [sflag:s23], $0x1  }
0xa4: {  	[sflag:s23] =	ssyncset.done $0x0  }
0xa5: {  	s25 =	simm.s32 $0x1B8E;
	s24 =	sld [smem:$0x3FFE];
	[sflag:s23] =	ssyncadd.s32 $0xFFFFFFFF  }
0xa6: {  	s26 =	simm.s32 $execute0_lowered;
	[smem:$0x3FD2] =	sst s25  }
0xa7: {  	s6 =	sshll.u32 s26, $0x1;
	_ =	strace $0x80000046;
	[dreg:$0x1] =	wrdreg $0xFFFFFFFF  }
0xa8: {  	s28 =	simm.s32 $_size_execute0_lowered;
	s4 =	sadd.s32 s4, s6;
	[dreg:$0x0] =	wrdreg $0x0  }
0xa9: {  	s6 =	sshll.u32 s28, $0x1;
	[dreg:$0x2] =	wrdreg s4  }
0xaa: {  	[dreg:$0x3] =	wrdreg s6  }
0xab: {  	[dreg:$0x4] =	wrdreg $0xC0  }
0xac: {  	_ =	task [dreg:s8], $0x5FFFF  }
0xad: {  	[dreg:$0x1] =	wrdreg $0xFFFFFFFF  }
0xae: {  	[dreg:$0x0] =	wrdreg $0x60  }
0xaf: {  	[dreg:$0x2] =	wrdreg s2  }
0xb0: {  	[dreg:$0x3] =	wrdreg s24  }
0xb1: {  	[dreg:$0x4] =	wrdreg s18  }
0xb2: {  	[dreg:$0x5] =	wrdreg $0x9  }
0xb3: {  	_ =	task.clear_ibuf [dreg:s8], $0x6FFFF;
	_ =	strace $0x90000046  }
0xb4: {  	s29 =	simm.s32 $0x9;
	_ =	strace $0x80000048  }
0xb5: {  	_ =	swait.ge [sflag:s29], $0x1  }
0xb6: {  	[sflag:s29] =	ssyncadd.s32 $0xFFFFFFFF  }
0xb7: {  	_ =	strace $0x90000048  }
0xb8: {  	_ =	sfence  }
0xb9: {  	s30 =	sld [smem:$0x0];
	_ =	sdelay $0x2  }
0xba: {  	s31 =	sshll.u32 s1, $0xD;
	s1 =	sshrl.u32 s1, $0x2  }
0xbb: {  	s3 =	sand.u32 $0x4000, s31;
	s1 =	sadd.s32 s1, s30  }
0xbc: {  	s0 =	sor.u32 s3, s0;
	s1 =	sshll.u32 s1, $0x11  }
0xbd: {  	s0 =	sor.u32 s1, s0  }
0xbe: {  	s0 =	sadd.s32 $0x8F2B, s0  }
0xbf: {  	[sflag:s0] =	ssyncadd.remote.s32 $0x1  }
0xc0: {  	_ =	sfence.sel $0xFFFF  }
0xc1: {  	[dreg:$0x0] =	wrdreg $0xFFFFFFFF;
	(pc) =	sbr.abs _section_cstart, $3  }
0xc2: {  	[dreg:$0x1] =	wrdreg $0xFFFFFFFF  }
0xc3: {  	_ =	task.clear_ibuf [dreg:s8], $0x2FFFF;
	_ =	strace $0x9FFFFFFF  }
0xc4: {  	(tm) =	ssettm $0x7FFFFFFF  }
0xc5: {  	_ =	shalt  }
tec
execute0_lowered:
.L_overlay_start_1:
0x0: {  	(tag) =	ssettag $0x1  }
0x1: {  	s0 =	rddreg [dreg:$0x0];
	s1 =	srdreg.scid  }
0x2: {  	s6 =	rddreg [dreg:$0x1];
	s2 =	stileid.u32  }
0x3: {  	s4 =	rddreg [dreg:$0x2];
	s26 =	simm.s32 $0x80;
	s18 =	simm.s32 $0x100  }
0x4: {  	s21 =	simm.s32 $0x1900;
	s22 =	simm.s32 $0x2100;
	s23 =	simm.s32 $0x2900  }
0x5: {  	s24 =	simm.s32 $0x3100;
	s28 =	simm.s32 $0x4900;
	s29 =	simm.s32 $0x5100  }
0x6: {  	s30 =	simm.s32 $0x5900;
	s31 =	simm.s32 $0x6100;
	s10 =	simm.s32 $0x7900  }
0x7: {  	s11 =	simm.s32 $0x8100;
	s12 =	simm.s32 $0x8900;
	s13 =	simm.s32 $0x9100  }
0x8: {  	s14 =	simm.s32 $0x9900;
	s15 =	simm.s32 $0xA100;
	s16 =	simm.s32 $0xA900  }
0x9: {  	s17 =	simm.s32 $0xB100;
	s9 =	simm.s32 $0xB900;
	s1 =	sand.u32 $0x1, s1  }
0xa: {  	s3 =	sshll.u32 s2, $0x7;
	s2 =	simm.s32 $0x0;
	s5 =	sshll.u32 s1, $0x6  }
0xb: {  	[smem:$0x7FF] =	sst s2;
	s1 =	ssub.s32 $0x2, s1;
	s5 =	sor.u32 s5, s3  }
0xc: {  	_ =	strace $0x80000047;
	s3 =	sadd.s32 $0x8C00, s6;
	s25 =	sshrl.u32 s1, $0x1  }
0xd: {  	[dreg:$0x7] =	wrdreg s26;
	s26 =	simm.s32 $0x4100;
	s7 =	sshrl.u32 s5, $0x3  }
0xe: {  	s5 =	sshll.u32 s5, $0x7;
	s1 =	ssub.s32 s1, s25;
	s25 =	simm.s32 $0x3900  }
0xf: {  	s8 =	sadd.s32 s7, s6;
	s4 =	sadd.s32 s4, s7;
	s0 =	sadd.s32 s0, s5  }
0x10: {  	v2 =	vlaneseq.u32;
	s5 =	sadd.s32 $0x8E00, s6;
	s7 =	smax.u32 s1, $0x1;
	[dreg:$0x5] =	wrdreg s4  }
0x11: {  	vm0 =	vmmov $0xffff;
	v1 =	vshrl.u32 v2, $0x3;
	s8 =	sadd.s32 $0x8600, s8;
	[dreg:$0x6] =	wrdreg s0;
	s4 =	sadd.s32 $0x8D00, s6  }
0x12: {  	v0 =	vand.u32 $0x7, v2;
	v2 =	vor.u32 $0x8, v2;
	v1 =	vmul.u32 $0x8, v1;
	s6 =	sadd.s32 $0x8F00, s6;
	[dreg:$0x4] =	wrdreg s8;
	s8 =	simm.s32 $0x2  }
.LBB2_1:
0x13: {  	s19 =	rddreg [dreg:$0x4]  }
0x14: {  	[tilespmem:s2], [sflag:$0x2] =	stream.linear.gather [hbm4b:s19+s2], $0x40, $0x38;
	[tilespmem:$0x10100] =	vst v63  }
0x15: {  	_ =	swait.ge [sflag:s8], $0x40  }
0x16: {  	s0 =	rddreg [dreg:$0x5];
	[sflag:s8] =	ssyncset.done $0x0  }
0x17: {  	s20 =	rddreg [dreg:$0x7];
	[sflag:s8] =	ssyncadd.s32 $0xFFFFFFC0  }
0x18: {  	[tilespmem:s20], [sflag:$0x2] =	stream.linear.gather [hbm4b:s0+s2], $0x40, $0x38;
	[tilespmem:$0x10100] =	vst v63  }
0x19: {  	_ =	swait.ge [sflag:s8], $0x40  }
0x1a: {  	[sflag:s8] =	ssyncset.done $0x0  }
0x1b: {  	s1 =	rddreg [dreg:$0x6];
	[sflag:s8] =	ssyncadd.s32 $0xFFFFFFC0  }
0x1c: {  	[tilespmem:s18], [sflag:$0x2] =	stream.linear.gather [hbm4b:s1+s2], $0x10000, $0x38;
	[tilespmem:$0x10100] =	vst v63  }
0x1d: {  	_ =	swait.ge [sflag:s8], $0x10000  }
0x1e: {  	[sflag:s8] =	ssyncset.done $0x0  }
0x1f: {  	[sflag:s8] =	ssyncadd.s32 $0xFFFF0000  }
0x20: {  	v3 =	vld [tilespmem:$0x0];
	_ =	sdelay $0x4  }
0x21: {  	v4 =	vshll.u32 v3, $0x3  }
0x22: {  	v3 =	vand.u32 $0x7, v3;
	v4 =	vand.u32 $0xFFFFFFC0, v4  }
0x23: {  	v3 =	vor.u32 v3, v4  }
0x24: {  	v4 =	vperm.xlane v3, v0;
	_ =	sdelay $0x1  }
0x25: {  	v4 =	vadd.s32 v1, v4;
	_ =	sdelay $0x4  }
0x26: {  	[hbm4b:s3+s2] =	stream.indirect_vreg.scatter [tilespmem:s18], [sflag:$0x1], $0x80, v4, vm0, $0xb8;
	[tilespmem:$0x10100] =	vst v63  }
0x27: {  	s19 =	simm.s32 $0x900;
	v3 =	vperm.xlane v3, v2  }
0x28: {  	[hbm4b:s4+s2] =	stream.indirect_vreg.scatter [tilespmem:s19], [sflag:$0x1], $0x80, v4, vm0, $0xb8;
	[tilespmem:$0x10100] =	vst v63  }
0x29: {  	s20 =	simm.s32 $0x1100;
	v3 =	vadd.s32 v1, v3  }
0x2a: {  	[hbm4b:s5+s2] =	stream.indirect_vreg.scatter [tilespmem:s20], [sflag:$0x1], $0x80, v4, vm0, $0xb8;
	[tilespmem:$0x10100] =	vst v63  }
0x2b: {  	_ = 	snop  }
0x2c: {  	[hbm4b:s6+s2] =	stream.indirect_vreg.scatter [tilespmem:s21], [sflag:$0x1], $0x80, v4, vm0, $0xb8;
	[tilespmem:$0x10100] =	vst v63  }
0x2d: {  	_ = 	snop  }
0x2e: {  	[hbm4b:s3+s2] =	stream.indirect_vreg.scatter [tilespmem:s22], [sflag:$0x1], $0x80, v3, vm0, $0xb8;
	[tilespmem:$0x10100] =	vst v63  }
0x2f: {  	_ = 	snop  }
0x30: {  	[hbm4b:s4+s2] =	stream.indirect_vreg.scatter [tilespmem:s23], [sflag:$0x1], $0x80, v3, vm0, $0xb8;
	[tilespmem:$0x10100] =	vst v63  }
0x31: {  	_ = 	snop  }
0x32: {  	[hbm4b:s5+s2] =	stream.indirect_vreg.scatter [tilespmem:s24], [sflag:$0x1], $0x80, v3, vm0, $0xb8;
	[tilespmem:$0x10100] =	vst v63  }
0x33: {  	_ = 	snop  }
0x34: {  	[hbm4b:s6+s2] =	stream.indirect_vreg.scatter [tilespmem:s25], [sflag:$0x1], $0x80, v3, vm0, $0xb8;
	[tilespmem:$0x10100] =	vst v63  }
0x35: {  	v3 =	vld [tilespmem:$0x10];
	_ =	sdelay $0x4  }
0x36: {  	v57 =	vshll.u32 v3, $0x3  }
0x37: {  	v3 =	vand.u32 $0x7, v3;
	v4 =	vand.u32 $0xFFFFFFC0, v57  }
0x38: {  	v3 =	vor.u32 v3, v4  }
0x39: {  	v4 =	vperm.xlane v3, v0;
	_ =	sdelay $0x1  }
0x3a: {  	v4 =	vadd.s32 v1, v4;
	_ =	sdelay $0x4  }
0x3b: {  	[hbm4b:s3+s2] =	stream.indirect_vreg.scatter [tilespmem:s26], [sflag:$0x1], $0x80, v4, vm0, $0xb8;
	[tilespmem:$0x10100] =	vst v63  }
0x3c: {  	v3 =	vperm.xlane v3, v2  }
0x3d: {  	[hbm4b:s4+s2] =	stream.indirect_vreg.scatter [tilespmem:s28], [sflag:$0x1], $0x80, v4, vm0, $0xb8;
	[tilespmem:$0x10100] =	vst v63  }
0x3e: {  	v3 =	vadd.s32 v1, v3  }
0x3f: {  	[hbm4b:s5+s2] =	stream.indirect_vreg.scatter [tilespmem:s29], [sflag:$0x1], $0x80, v4, vm0, $0xb8;
	[tilespmem:$0x10100] =	vst v63  }
0x40: {  	_ = 	snop  }
0x41: {  	[hbm4b:s6+s2] =	stream.indirect_vreg.scatter [tilespmem:s30], [sflag:$0x1], $0x80, v4, vm0, $0xb8;
	[tilespmem:$0x10100] =	vst v63  }
0x42: {  	_ = 	snop  }
0x43: {  	[hbm4b:s3+s2] =	stream.indirect_vreg.scatter [tilespmem:s31], [sflag:$0x1], $0x80, v3, vm0, $0xb8;
	[tilespmem:$0x10100] =	vst v63  }
0x44: {  	s1 =	simm.s32 $0x6900  }
0x45: {  	[hbm4b:s4+s2] =	stream.indirect_vreg.scatter [tilespmem:s1], [sflag:$0x1], $0x80, v3, vm0, $0xb8;
	[tilespmem:$0x10100] =	vst v63  }
0x46: {  	s0 =	simm.s32 $0x7100  }
0x47: {  	[hbm4b:s5+s2] =	stream.indirect_vreg.scatter [tilespmem:s0], [sflag:$0x1], $0x80, v3, vm0, $0xb8;
	[tilespmem:$0x10100] =	vst v63  }
0x48: {  	_ = 	snop  }
0x49: {  	[hbm4b:s6+s2] =	stream.indirect_vreg.scatter [tilespmem:s10], [sflag:$0x1], $0x80, v3, vm0, $0xb8;
	[tilespmem:$0x10100] =	vst v63  }
0x4a: {  	v3 =	vld [tilespmem:$0x20];
	_ =	sdelay $0x4  }
0x4b: {  	v58 =	vshll.u32 v3, $0x3  }
0x4c: {  	v3 =	vand.u32 $0x7, v3;
	v4 =	vand.u32 $0xFFFFFFC0, v58  }
0x4d: {  	v3 =	vor.u32 v3, v4  }
0x4e: {  	v4 =	vperm.xlane v3, v0;
	_ =	sdelay $0x1  }
0x4f: {  	v4 =	vadd.s32 v1, v4;
	_ =	sdelay $0x4  }
0x50: {  	[hbm4b:s3+s2] =	stream.indirect_vreg.scatter [tilespmem:s11], [sflag:$0x1], $0x80, v4, vm0, $0xb8;
	[tilespmem:$0x10100] =	vst v63  }
0x51: {  	v3 =	vperm.xlane v3, v2  }
0x52: {  	[hbm4b:s4+s2] =	stream.indirect_vreg.scatter [tilespmem:s12], [sflag:$0x1], $0x80, v4, vm0, $0xb8;
	[tilespmem:$0x10100] =	vst v63  }
0x53: {  	v3 =	vadd.s32 v1, v3  }
0x54: {  	[hbm4b:s5+s2] =	stream.indirect_vreg.scatter [tilespmem:s13], [sflag:$0x1], $0x80, v4, vm0, $0xb8;
	[tilespmem:$0x10100] =	vst v63  }
0x55: {  	_ = 	snop  }
0x56: {  	[hbm4b:s6+s2] =	stream.indirect_vreg.scatter [tilespmem:s14], [sflag:$0x1], $0x80, v4, vm0, $0xb8;
	[tilespmem:$0x10100] =	vst v63  }
0x57: {  	_ = 	snop  }
0x58: {  	[hbm4b:s3+s2] =	stream.indirect_vreg.scatter [tilespmem:s15], [sflag:$0x1], $0x80, v3, vm0, $0xb8;
	[tilespmem:$0x10100] =	vst v63  }
0x59: {  	_ = 	snop  }
0x5a: {  	[hbm4b:s4+s2] =	stream.indirect_vreg.scatter [tilespmem:s16], [sflag:$0x1], $0x80, v3, vm0, $0xb8;
	[tilespmem:$0x10100] =	vst v63  }
0x5b: {  	_ = 	snop  }
0x5c: {  	[hbm4b:s5+s2] =	stream.indirect_vreg.scatter [tilespmem:s17], [sflag:$0x1], $0x80, v3, vm0, $0xb8;
	[tilespmem:$0x10100] =	vst v63  }
0x5d: {  	_ = 	snop  }
0x5e: {  	[hbm4b:s6+s2] =	stream.indirect_vreg.scatter [tilespmem:s9], [sflag:$0x1], $0x80, v3, vm0, $0xb8;
	[tilespmem:$0x10100] =	vst v63  }
0x5f: {  	v3 =	vld [tilespmem:$0x30];
	_ =	sdelay $0x4  }
0x60: {  	v59 =	vshll.u32 v3, $0x3  }
0x61: {  	v3 =	vand.u32 $0x7, v3;
	v4 =	vand.u32 $0xFFFFFFC0, v59  }
0x62: {  	v3 =	vor.u32 v3, v4  }
0x63: {  	v4 =	vperm.xlane v3, v0;
	_ =	sdelay $0x1  }
0x64: {  	v4 =	vadd.s32 v1, v4;
	_ =	sdelay $0x3  }
0x65: {  	s0 =	simm.s32 $0xC100  }
0x66: {  	[hbm4b:s3+s2] =	stream.indirect_vreg.scatter [tilespmem:s0], [sflag:$0x1], $0x80, v4, vm0, $0xb8;
	[tilespmem:$0x10100] =	vst v63  }
0x67: {  	v3 =	vperm.xlane v3, v2;
	s0 =	simm.s32 $0xC900  }
0x68: {  	[hbm4b:s4+s2] =	stream.indirect_vreg.scatter [tilespmem:s0], [sflag:$0x1], $0x80, v4, vm0, $0xb8;
	[tilespmem:$0x10100] =	vst v63  }
0x69: {  	v3 =	vadd.s32 v1, v3;
	s0 =	simm.s32 $0xD100  }
0x6a: {  	[hbm4b:s5+s2] =	stream.indirect_vreg.scatter [tilespmem:s0], [sflag:$0x1], $0x80, v4, vm0, $0xb8;
	[tilespmem:$0x10100] =	vst v63  }
0x6b: {  	s0 =	simm.s32 $0xD900  }
0x6c: {  	[hbm4b:s6+s2] =	stream.indirect_vreg.scatter [tilespmem:s0], [sflag:$0x1], $0x80, v4, vm0, $0xb8;
	[tilespmem:$0x10100] =	vst v63  }
0x6d: {  	s0 =	simm.s32 $0xE100  }
0x6e: {  	[hbm4b:s3+s2] =	stream.indirect_vreg.scatter [tilespmem:s0], [sflag:$0x1], $0x80, v3, vm0, $0xb8;
	[tilespmem:$0x10100] =	vst v63  }
0x6f: {  	s0 =	simm.s32 $0xE900  }
0x70: {  	[hbm4b:s4+s2] =	stream.indirect_vreg.scatter [tilespmem:s0], [sflag:$0x1], $0x80, v3, vm0, $0xb8;
	[tilespmem:$0x10100] =	vst v63  }
0x71: {  	s0 =	simm.s32 $0xF100  }
0x72: {  	[hbm4b:s5+s2] =	stream.indirect_vreg.scatter [tilespmem:s0], [sflag:$0x1], $0x80, v3, vm0, $0xb8;
	[tilespmem:$0x10100] =	vst v63  }
0x73: {  	s0 =	simm.s32 $0xF900  }
0x74: {  	[hbm4b:s6+s2] =	stream.indirect_vreg.scatter [tilespmem:s0], [sflag:$0x1], $0x80, v3, vm0, $0xb8;
	[tilespmem:$0x10100] =	vst v63  }
0x75: {  	v3 =	vld [tilespmem:$0x80];
	_ =	sdelay $0x4  }
0x76: {  	v60 =	vshll.u32 v3, $0x3  }
0x77: {  	v3 =	vand.u32 $0x7, v3;
	v4 =	vand.u32 $0xFFFFFFC0, v60  }
0x78: {  	v3 =	vor.u32 v3, v4  }
0x79: {  	v4 =	vperm.xlane v3, v0;
	_ =	sdelay $0x1  }
0x7a: {  	v4 =	vadd.s32 v1, v4;
	_ =	sdelay $0x4  }
0x7b: {  	[hbm4b:s3+s2] =	stream.indirect_vreg.scatter [tilespmem:s18], [sflag:$0x1], $0x80, v4, vm0, $0xb8;
	[tilespmem:$0x10100] =	vst v63  }
0x7c: {  	v3 =	vperm.xlane v3, v2  }
0x7d: {  	[hbm4b:s4+s2] =	stream.indirect_vreg.scatter [tilespmem:s19], [sflag:$0x1], $0x80, v4, vm0, $0xb8;
	[tilespmem:$0x10100] =	vst v63  }
0x7e: {  	v3 =	vadd.s32 v1, v3  }
0x7f: {  	[hbm4b:s5+s2] =	stream.indirect_vreg.scatter [tilespmem:s20], [sflag:$0x1], $0x80, v4, vm0, $0xb8;
	[tilespmem:$0x10100] =	vst v63  }
0x80: {  	_ = 	snop  }
0x81: {  	[hbm4b:s6+s2] =	stream.indirect_vreg.scatter [tilespmem:s21], [sflag:$0x1], $0x80, v4, vm0, $0xb8;
	[tilespmem:$0x10100] =	vst v63  }
0x82: {  	_ = 	snop  }
0x83: {  	[hbm4b:s3+s2] =	stream.indirect_vreg.scatter [tilespmem:s22], [sflag:$0x1], $0x80, v3, vm0, $0xb8;
	[tilespmem:$0x10100] =	vst v63  }
0x84: {  	_ = 	snop  }
0x85: {  	[hbm4b:s4+s2] =	stream.indirect_vreg.scatter [tilespmem:s23], [sflag:$0x1], $0x80, v3, vm0, $0xb8;
	[tilespmem:$0x10100] =	vst v63  }
0x86: {  	_ = 	snop  }
0x87: {  	[hbm4b:s5+s2] =	stream.indirect_vreg.scatter [tilespmem:s24], [sflag:$0x1], $0x80, v3, vm0, $0xb8;
	[tilespmem:$0x10100] =	vst v63  }
0x88: {  	_ = 	snop  }
0x89: {  	[hbm4b:s6+s2] =	stream.indirect_vreg.scatter [tilespmem:s25], [sflag:$0x1], $0x80, v3, vm0, $0xb8;
	[tilespmem:$0x10100] =	vst v63  }
0x8a: {  	v3 =	vld [tilespmem:$0x90];
	_ =	sdelay $0x4  }
0x8b: {  	v61 =	vshll.u32 v3, $0x3  }
0x8c: {  	v3 =	vand.u32 $0x7, v3;
	v4 =	vand.u32 $0xFFFFFFC0, v61  }
0x8d: {  	v3 =	vor.u32 v3, v4  }
0x8e: {  	v4 =	vperm.xlane v3, v0;
	_ =	sdelay $0x1  }
0x8f: {  	v4 =	vadd.s32 v1, v4;
	_ =	sdelay $0x4  }
0x90: {  	[hbm4b:s3+s2] =	stream.indirect_vreg.scatter [tilespmem:s26], [sflag:$0x1], $0x80, v4, vm0, $0xb8;
	[tilespmem:$0x10100] =	vst v63  }
0x91: {  	v3 =	vperm.xlane v3, v2  }
0x92: {  	[hbm4b:s4+s2] =	stream.indirect_vreg.scatter [tilespmem:s28], [sflag:$0x1], $0x80, v4, vm0, $0xb8;
	[tilespmem:$0x10100] =	vst v63  }
0x93: {  	v3 =	vadd.s32 v1, v3  }
0x94: {  	[hbm4b:s5+s2] =	stream.indirect_vreg.scatter [tilespmem:s29], [sflag:$0x1], $0x80, v4, vm0, $0xb8;
	[tilespmem:$0x10100] =	vst v63  }
0x95: {  	_ = 	snop  }
0x96: {  	[hbm4b:s6+s2] =	stream.indirect_vreg.scatter [tilespmem:s30], [sflag:$0x1], $0x80, v4, vm0, $0xb8;
	[tilespmem:$0x10100] =	vst v63  }
0x97: {  	_ = 	snop  }
0x98: {  	[hbm4b:s3+s2] =	stream.indirect_vreg.scatter [tilespmem:s31], [sflag:$0x1], $0x80, v3, vm0, $0xb8;
	[tilespmem:$0x10100] =	vst v63  }
0x99: {  	_ = 	snop  }
0x9a: {  	[hbm4b:s4+s2] =	stream.indirect_vreg.scatter [tilespmem:s1], [sflag:$0x1], $0x80, v3, vm0, $0xb8;
	[tilespmem:$0x10100] =	vst v63  }
0x9b: {  	s20 =	simm.s32 $0x7100  }
0x9c: {  	[hbm4b:s5+s2] =	stream.indirect_vreg.scatter [tilespmem:s20], [sflag:$0x1], $0x80, v3, vm0, $0xb8;
	[tilespmem:$0x10100] =	vst v63  }
0x9d: {  	_ = 	snop  }
0x9e: {  	[hbm4b:s6+s2] =	stream.indirect_vreg.scatter [tilespmem:s10], [sflag:$0x1], $0x80, v3, vm0, $0xb8;
	[tilespmem:$0x10100] =	vst v63  }
0x9f: {  	v3 =	vld [tilespmem:$0xA0];
	_ =	sdelay $0x4  }
0xa0: {  	v62 =	vshll.u32 v3, $0x3  }
0xa1: {  	v3 =	vand.u32 $0x7, v3;
	v4 =	vand.u32 $0xFFFFFFC0, v62  }
0xa2: {  	v3 =	vor.u32 v3, v4  }
0xa3: {  	v4 =	vperm.xlane v3, v0;
	_ =	sdelay $0x1  }
0xa4: {  	v4 =	vadd.s32 v1, v4;
	_ =	sdelay $0x4  }
0xa5: {  	[hbm4b:s3+s2] =	stream.indirect_vreg.scatter [tilespmem:s11], [sflag:$0x1], $0x80, v4, vm0, $0xb8;
	[tilespmem:$0x10100] =	vst v63  }
0xa6: {  	v3 =	vperm.xlane v3, v2  }
0xa7: {  	[hbm4b:s4+s2] =	stream.indirect_vreg.scatter [tilespmem:s12], [sflag:$0x1], $0x80, v4, vm0, $0xb8;
	[tilespmem:$0x10100] =	vst v63  }
0xa8: {  	v3 =	vadd.s32 v1, v3  }
0xa9: {  	[hbm4b:s5+s2] =	stream.indirect_vreg.scatter [tilespmem:s13], [sflag:$0x1], $0x80, v4, vm0, $0xb8;
	[tilespmem:$0x10100] =	vst v63  }
0xaa: {  	_ = 	snop  }
0xab: {  	[hbm4b:s6+s2] =	stream.indirect_vreg.scatter [tilespmem:s14], [sflag:$0x1], $0x80, v4, vm0, $0xb8;
	[tilespmem:$0x10100] =	vst v63  }
0xac: {  	_ = 	snop  }
0xad: {  	[hbm4b:s3+s2] =	stream.indirect_vreg.scatter [tilespmem:s15], [sflag:$0x1], $0x80, v3, vm0, $0xb8;
	[tilespmem:$0x10100] =	vst v63  }
0xae: {  	_ = 	snop  }
0xaf: {  	[hbm4b:s4+s2] =	stream.indirect_vreg.scatter [tilespmem:s16], [sflag:$0x1], $0x80, v3, vm0, $0xb8;
	[tilespmem:$0x10100] =	vst v63  }
0xb0: {  	_ = 	snop  }
0xb1: {  	[hbm4b:s5+s2] =	stream.indirect_vreg.scatter [tilespmem:s17], [sflag:$0x1], $0x80, v3, vm0, $0xb8;
	[tilespmem:$0x10100] =	vst v63  }
0xb2: {  	_ = 	snop  }
0xb3: {  	[hbm4b:s6+s2] =	stream.indirect_vreg.scatter [tilespmem:s9], [sflag:$0x1], $0x80, v3, vm0, $0xb8;
	[tilespmem:$0x10100] =	vst v63  }
0xb4: {  	v3 =	vld [tilespmem:$0xB0];
	_ =	sdelay $0x4  }
0xb5: {  	v63 =	vshll.u32 v3, $0x3  }
0xb6: {  	v3 =	vand.u32 $0x7, v3;
	v4 =	vand.u32 $0xFFFFFFC0, v63  }
0xb7: {  	v3 =	vor.u32 v3, v4  }
0xb8: {  	v4 =	vperm.xlane v3, v0;
	_ =	sdelay $0x1  }
0xb9: {  	v4 =	vadd.s32 v1, v4;
	_ =	sdelay $0x3  }
0xba: {  	s19 =	simm.s32 $0xC100  }
0xbb: {  	[hbm4b:s3+s2] =	stream.indirect_vreg.scatter [tilespmem:s19], [sflag:$0x1], $0x80, v4, vm0, $0xb8;
	[tilespmem:$0x10100] =	vst v63  }
0xbc: {  	s20 =	simm.s32 $0xC900;
	v3 =	vperm.xlane v3, v2  }
0xbd: {  	[hbm4b:s4+s2] =	stream.indirect_vreg.scatter [tilespmem:s20], [sflag:$0x1], $0x80, v4, vm0, $0xb8;
	[tilespmem:$0x10100] =	vst v63  }
0xbe: {  	v3 =	vadd.s32 v1, v3;
	s19 =	simm.s32 $0xD100  }
0xbf: {  	[hbm4b:s5+s2] =	stream.indirect_vreg.scatter [tilespmem:s19], [sflag:$0x1], $0x80, v4, vm0, $0xb8;
	[tilespmem:$0x10100] =	vst v63  }
0xc0: {  	s20 =	simm.s32 $0xD900  }
0xc1: {  	[hbm4b:s6+s2] =	stream.indirect_vreg.scatter [tilespmem:s20], [sflag:$0x1], $0x80, v4, vm0, $0xb8;
	[tilespmem:$0x10100] =	vst v63  }
0xc2: {  	s19 =	simm.s32 $0xE100  }
0xc3: {  	[hbm4b:s3+s2] =	stream.indirect_vreg.scatter [tilespmem:s19], [sflag:$0x1], $0x80, v3, vm0, $0xb8;
	[tilespmem:$0x10100] =	vst v63  }
0xc4: {  	s20 =	simm.s32 $0xE900  }
0xc5: {  	[hbm4b:s4+s2] =	stream.indirect_vreg.scatter [tilespmem:s20], [sflag:$0x1], $0x80, v3, vm0, $0xb8;
	[tilespmem:$0x10100] =	vst v63  }
0xc6: {  	s19 =	simm.s32 $0xF100  }
0xc7: {  	[hbm4b:s5+s2] =	stream.indirect_vreg.scatter [tilespmem:s19], [sflag:$0x1], $0x80, v3, vm0, $0xb8;
	[tilespmem:$0x10100] =	vst v63  }
0xc8: {  	s20 =	simm.s32 $0x1  }
0xc9: {  	[hbm4b:s6+s2] =	stream.indirect_vreg.scatter [tilespmem:s0], [sflag:$0x1], $0x80, v3, vm0, $0xb8;
	[tilespmem:$0x10100] =	vst v63  }
0xca: {  	p0 =	sne.s32 s7, $0x1;
	_ =	swait.ge [sflag:s20], $0x10000  }
.Ltmp0:
0xcb: {  	[sflag:s20] =	ssyncset.done $0x0;
	(pc) =	sbr.rel @p0 .LBB2_1-.Ltmp0, $4  }
0xcc: {  	[sflag:s20] =	ssyncadd.s32 $0xFFFF0000  }
0xcd: {  	_ =	swait.ge [sflag:s20], $0x10000  }
0xce: {  	[sflag:s20] =	ssyncset.done $0x0  }
0xcf: {  	s7 =	sadd.s32 $0xFFFFFFFF, s7;
	[sflag:s20] =	ssyncadd.s32 $0xFFFF0000  }
0xd0: {  	_ =	sfence.sel $0x180000  }
0xd1: {  	[bflag:$0x0] =	sbarrier.arrive $0xFFFF  }
0xd2: {  	_ =	strace $0x90000047  }
0xd3: {  	s0 =	stileid.u32;
	[bflag:$0x2] =	sbarrier.arrive $0xFFFF  }
0xd4: {  	p0 =	sne.s32 s0, $0x0;
	s0 =	rddreg [dreg:$0x3]  }
0xd5: {  	s0 =	sadd.s32 @!p0 $0x100000, s0  }
0xd6: {  	[sflag:s0] =	ssyncadd.tile.s32 @!p0 $0x1;
	_ =	shalt  }
.Lfunc_end2:
_tile_overlayer_lowered:
.L_overlay_start_2:
0xd7: {  	(tag) =	ssettag $0x2  }
0xd8: {  	s0 =	rddreg [dreg:$0x0];
	s2 =	stileid.u32  }
0xd9: {  	s1 =	rddreg [dreg:$0x1];
	p0 =	sne.s32 s2, $0x0  }
0xda: {  	s3 =	rddreg [dreg:$0x2];
	[bflag:$0x3] =	sbarrier.arrive $0xFFFF;
	s2 =	simm.s32 @!p0 $0x1C02  }
0xdb: {  	[timem:s3], [sflag:s2] =	dma.local @!p0 [hbm:s0], s1  }
0xdc: {  	s0 =	simm.s32 @!p0 $0x2  }
0xdd: {  	_ =	swait.ge @!p0 [sflag:s0], s1  }
0xde: {  	s1 =	ssub.s32 @!p0 $0x0, s1;
	[sflag:s0] =	ssyncset.done @!p0 $0x0  }
0xdf: {  	[sflag:s0] =	ssyncadd.s32 @!p0 s1  }
0xe0: {  	[bflag:$0x3] =	sbarrier.arrive $0xFFFF  }
0xe1: {  	_ =	shalt  }

// kernel: kernel.9.cloned.1.call-start
scs
__scs_entry_jumppad:
0x0: {  	(pc) =	sbr.rel $0x88, $3  }
0x1: {  	(tag) =	ssettag $0x0;
	lr =	simm.s32 $0x1  }
0x2: {  	[smem:$0x3F98] =	sst lr;
	_ =	strace $0xD0000000  }
0x3: {  	_ = 	snop  }
0x4: {  	_ = 	snop  }
0x5: {  	_ = 	snop  }
0x6: {  	_ = 	snop  }
0x7: {  	_ = 	snop  }
__scs_overlays_trampoline_lowered:
0x8: {  	[smem:$0x3FA7] =	sst s0  }
0x9: {  	[smem:$0x3FA8] =	sst s1  }
0xa: {  	[smem:$0x3FA9] =	sst s2  }
0xb: {  	[smem:$0x3FAA] =	sst s3  }
0xc: {  	[smem:$0x3FAB] =	sst s4  }
0xd: {  	[smem:$0x3FAC] =	sst s5  }
0xe: {  	[smem:$0x3FAD] =	sst s6  }
0xf: {  	[smem:$0x3FAE] =	sst s7  }
0x10: {  	[smem:$0x3FAF] =	sst s8  }
0x11: {  	[smem:$0x3FB0] =	sst s9;
	s0 =	simm.s32 @!p0 $0x0  }
0x12: {  	s1 =	sld [smem:$0x3F96];
	s0 =	simm.s32 @p0 $0x1  }
0x13: {  	[smem:$0x3FB1] =	sst s0;
	s0 =	simm.s32 @!p1 $0x0  }
0x14: {  	s2 =	sld [smem:$0x3F95];
	s0 =	simm.s32 @p1 $0x1  }
0x15: {  	[smem:$0x3FB2] =	sst s0;
	s0 =	simm.s32 @!p2 $0x0  }
0x16: {  	s3 =	sld [smem:$0x3FDB];
	s0 =	simm.s32 @p2 $0x1  }
0x17: {  	s4 =	simm.s32 $0x1BF5;
	[smem:$0x3FB4] =	sst s0  }
0x18: {  	s0 =	sld [smem:$0x3F97];
	_ =	swait.ge [sflag:s4], $0x0  }
0x19: {  	s7 =	sld [smem:$0x3F98]  }
0x1a: {  	s8 =	sadd.s32 $0xFFFFE003, lr  }
0x1b: {  	s9 =	sadd.s32 $0xFFFFFEF7, lr;
	s5 =	simm.s32 $0xFFFFFFFF;
	p2 =	slt.u32 s8, $0xFFFFF086  }
0x1c: {  	p1 =	slt.u32 s9, $0xF7A;
	s5 =	simm.s32 @!p2 $0x0  }
0x1d: {  	s5 =	simm.s32 @p1 $0x1;
	p0 =	seq.s32 s7, s2  }
0x1e: {  	s7 =	smul.u32 @!p0 $0xF7A, s2;
	p2 =	seq.s32 @!p0 s5, $0x0  }
0x1f: {  	s9 =	smul.u32 $0xF7A, s1;
	s8 =	simm.s32 @!p0 $0x1BF5;
	p2 =	por !p2, p0  }
0x20: {  	[sflag:s8] =	ssyncset.s32 @!p0 $0xFFFFF086;
	s6 =	sadd.s32 @!p0 s3, s7;
	s7 =	simm.s32 @!p0 $0x108  }
0x21: {  	s3 =	sadd.s32 s3, s9;
	s6 =	sadd.s32 @!p0 $0x88, s6;
	s7 =	simm.s32 @p2 $0x1082  }
0x22: {  	[simem:s7], [sflag:s8] =	dma.local @!p0 [hbm:s6], $0xF7A  }
0x23: {  	s9 =	sor.u32 $0xD0000000, s2;
	s6 =	simm.s32 $0x108;
	_ =	swait.ge @!p0 [sflag:s8], $0x0  }
0x24: {  	s3 =	sadd.s32 $0x88, s3;
	s6 =	simm.s32 @!p1 $0x1082;
	[sflag:s4] =	ssyncset.s32 $0xFFFFF086  }
0x25: {  	[simem:s6], [sflag:s4] =	dma.local [hbm:s3], $0xF7A  }
0x26: {  	[smem:$0x3F98] =	sst s1;
	(tag) =	ssettag s2;
	_ =	strace s9  }
0x27: {  	s1 =	sld [smem:$0x3FA8]  }
0x28: {  	s2 =	sld [smem:$0x3FA9]  }
0x29: {  	s4 =	sld [smem:$0x3FAB]  }
0x2a: {  	p0 =	seq.s32 s5, $0x0;
	s5 =	sld [smem:$0x3FAC]  }
0x2b: {  	s6 =	sld [smem:$0x3FAD]  }
0x2c: {  	s7 =	sld [smem:$0x3FAE]  }
0x2d: {  	s3 =	simm.s32 $0x108;
	s8 =	sld [smem:$0x3FAF]  }
0x2e: {  	s3 =	simm.s32 @!p0 $0x1082;
	s9 =	sld [smem:$0x3FB0]  }
0x2f: {  	lr =	sadd.s32 s0, s3;
	s0 =	sld [smem:$0x3FA7]  }
0x30: {  	s3 =	sld [smem:$0x3FAA]  }
0x31: {  	[smem:$0x3FB3] =	sst s10  }
0x32: {  	s10 =	sld [smem:$0x3FB1];
	_ =	sdelay $0x3  }
0x33: {  	p0 =	seq.s32 s10, $0x1;
	s10 =	sld [smem:$0x3FB3];
	_ =	sdelay $0x3  }
0x34: {  	[smem:$0x3FB3] =	sst s10  }
0x35: {  	s10 =	sld [smem:$0x3FB2];
	_ =	sdelay $0x3  }
0x36: {  	p1 =	seq.s32 s10, $0x1;
	s10 =	sld [smem:$0x3FB3];
	_ =	sdelay $0x3  }
0x37: {  	[smem:$0x3FB3] =	sst s10  }
0x38: {  	s10 =	sld [smem:$0x3FB4]  }
0x39: {  	_ = 	snop;
	(pc) =	sbr.ind lr, $3  }
0x3a: {  	_ = 	snop  }
0x3b: {  	_ = 	snop  }
0x3c: {  	p2 =	seq.s32 s10, $0x1;
	s10 =	sld [smem:$0x3FB3]  }
0x3d: {  	_ =	shalt  }
0x3e: {  	_ =	shalt  }
0x3f: {  	_ =	shalt  }
0x40: {  	_ =	shalt  }
0x41: {  	_ =	shalt  }
0x42: {  	_ =	shalt  }
0x43: {  	_ =	shalt  }
0x44: {  	_ =	shalt  }
0x45: {  	_ =	shalt  }
0x46: {  	_ =	shalt  }
0x47: {  	_ =	shalt  }
0x48: {  	_ =	shalt  }
0x49: {  	_ =	shalt  }
0x4a: {  	_ =	shalt  }
0x4b: {  	_ =	shalt  }
0x4c: {  	_ =	shalt  }
0x4d: {  	_ =	shalt  }
0x4e: {  	_ =	shalt  }
0x4f: {  	_ =	shalt  }
0x50: {  	_ =	shalt  }
0x51: {  	_ =	shalt  }
0x52: {  	_ =	shalt  }
0x53: {  	_ =	shalt  }
0x54: {  	_ =	shalt  }
0x55: {  	_ =	shalt  }
0x56: {  	_ =	shalt  }
0x57: {  	_ =	shalt  }
0x58: {  	_ =	shalt  }
0x59: {  	_ =	shalt  }
0x5a: {  	_ =	shalt  }
0x5b: {  	_ =	shalt  }
0x5c: {  	_ =	shalt  }
0x5d: {  	_ =	shalt  }
0x5e: {  	_ =	shalt  }
0x5f: {  	_ =	shalt  }
0x60: {  	_ =	shalt  }
0x61: {  	_ =	shalt  }
0x62: {  	_ =	shalt  }
0x63: {  	_ =	shalt  }
0x64: {  	_ =	shalt  }
0x65: {  	_ =	shalt  }
0x66: {  	_ =	shalt  }
0x67: {  	_ =	shalt  }
0x68: {  	_ =	shalt  }
0x69: {  	_ =	shalt  }
0x6a: {  	_ =	shalt  }
0x6b: {  	_ =	shalt  }
0x6c: {  	_ =	shalt  }
0x6d: {  	_ =	shalt  }
0x6e: {  	_ =	shalt  }
0x6f: {  	_ =	shalt  }
0x70: {  	_ =	shalt  }
0x71: {  	_ =	shalt  }
0x72: {  	_ =	shalt  }
0x73: {  	_ =	shalt  }
0x74: {  	_ =	shalt  }
0x75: {  	_ =	shalt  }
0x76: {  	_ =	shalt  }
0x77: {  	_ =	shalt  }
0x78: {  	_ =	shalt  }
0x79: {  	_ =	shalt  }
0x7a: {  	_ =	shalt  }
0x7b: {  	_ =	shalt  }
0x7c: {  	_ =	shalt  }
0x7d: {  	_ =	shalt  }
0x7e: {  	_ =	shalt  }
0x7f: {  	_ =	shalt  }
0x80: {  	_ =	shalt  }
0x81: {  	_ =	shalt  }
0x82: {  	_ =	shalt  }
0x83: {  	_ =	shalt  }
0x84: {  	_ =	shalt  }
0x85: {  	_ =	shalt  }
0x86: {  	_ =	shalt  }
0x87: {  	_ =	shalt  }
.Lfunc_end0:
.L_simem_size_0:
called_computation.1_lowered:
.L_overlay_start_0:
0x88: {  	s2 =	sld [smem:$0x3FD9]  }
0x89: {  	s3 =	sld [smem:$0x3FFE];
	_ =	sdelay $0x1  }
0x8a: {  	s1 =	srdreg.scid  }
0x8b: {  	s0 =	sand.u32 $0x1, s1  }
0x8c: {  	s17 =	sshll.u32 s0, $0xA;
	s2 =	sadd.s32 s3, s2  }
0x8d: {  	s2 =	sadd.s32 s2, s17  }
0x8e: {  	[smem:$0x3FBF] =	sst s2  }
0x8f: {  	_ = 	snop  }
0x90: {  	s2 =	sld [smem:$0x3FD0];
	(tm) =	ssettm $0x1  }
0x91: {  	s18 =	sld [smem:$0x3FFB];
	_ =	sdelay $0x3  }
0x92: {  	_ =	strace s18  }
0x93: {  	s3 =	sld [smem:$0x3FFC];
	_ =	sdelay $0x3  }
0x94: {  	_ =	strace s3  }
0x95: {  	s3 =	sld [smem:$0x3FFD];
	_ =	sdelay $0x3  }
0x96: {  	_ =	strace s3  }
0x97: {  	_ =	strace $0x8FFFFFFF  }
0x98: {  	s19 =	sld [smem:$0x3FDB];
	_ =	sdelay $0x1  }
0x99: {  	s4 =	simm.s32 $_scs_section_size  }
0x9a: {  	s5 =	simm.s32 $_size__tile_overlayer_lowered;
	s6 =	simm.s32 $_tile_overlayer_lowered  }
0x9b: {  	s22 =	simm.s32 $0x1BFF;
	s21 =	sshll.u32 s6, $0x1;
	s3 =	sadd.s32 s4, s19  }
0x9c: {  	s7 =	simm.s32 $0x0;
	s20 =	sshll.u32 s5, $0x1;
	s5 =	sadd.s32 s21, s3  }
0x9d: {  	[timem:s7], [sflag:s22] =	dma.local [hbm:s5], s20  }
0x9e: {  	_ =	swait.ge [sflag:s22], s20  }
0x9f: {  	s4 =	ssub.s32 $0x0, s20;
	[sflag:s22] =	ssyncset.done $0x0  }
0xa0: {  	[sflag:s22] =	ssyncadd.s32 s4;
	_ =	sdelay $0x1  }
0xa1: {  	s23 =	simm.s32 $0x1B8B  }
0xa2: {  	_ =	swait.ge [sflag:s23], $0x1  }
0xa3: {  	[sflag:s23] =	ssyncset.done $0x0  }
0xa4: {  	s25 =	simm.s32 $0x1B8E;
	s24 =	sld [smem:$0x3FFE];
	[sflag:s23] =	ssyncadd.s32 $0xFFFFFFFF  }
0xa5: {  	s26 =	simm.s32 $execute0_lowered;
	[smem:$0x3FD2] =	sst s25  }
0xa6: {  	s5 =	sshll.u32 s26, $0x1;
	_ =	strace $0x80000049;
	[dreg:$0x1] =	wrdreg $0xFFFFFFFF  }
0xa7: {  	s28 =	simm.s32 $_size_execute0_lowered;
	s3 =	sadd.s32 s3, s5;
	[dreg:$0x0] =	wrdreg $0x0  }
0xa8: {  	s5 =	sshll.u32 s28, $0x1;
	[dreg:$0x2] =	wrdreg s3  }
0xa9: {  	[dreg:$0x3] =	wrdreg s5  }
0xaa: {  	[dreg:$0x4] =	wrdreg $0xC0  }
0xab: {  	_ =	task [dreg:s7], $0x5FFFF  }
0xac: {  	[dreg:$0x1] =	wrdreg $0xFFFFFFFF  }
0xad: {  	[dreg:$0x0] =	wrdreg $0x60  }
0xae: {  	[dreg:$0x2] =	wrdreg s24  }
0xaf: {  	[dreg:$0x3] =	wrdreg s2  }
0xb0: {  	[dreg:$0x4] =	wrdreg $0x9  }
0xb1: {  	_ =	task.clear_ibuf [dreg:s7], $0x5FFFF;
	_ =	strace $0x90000049  }
0xb2: {  	s29 =	simm.s32 $0x9;
	_ =	strace $0x8000004B  }
0xb3: {  	_ =	swait.ge [sflag:s29], $0x1  }
0xb4: {  	[sflag:s29] =	ssyncadd.s32 $0xFFFFFFFF  }
0xb5: {  	_ =	strace $0x9000004B  }
0xb6: {  	_ =	sfence  }
0xb7: {  	s30 =	sld [smem:$0x0];
	_ =	sdelay $0x2  }
0xb8: {  	s31 =	sshll.u32 s1, $0xD;
	s1 =	sshrl.u32 s1, $0x2  }
0xb9: {  	s3 =	sand.u32 $0x4000, s31;
	s1 =	sadd.s32 s1, s30  }
0xba: {  	s0 =	sor.u32 s3, s0;
	s1 =	sshll.u32 s1, $0x11  }
0xbb: {  	s0 =	sor.u32 s1, s0  }
0xbc: {  	s0 =	sadd.s32 $0x8F2B, s0  }
0xbd: {  	[sflag:s0] =	ssyncadd.remote.s32 $0x1  }
0xbe: {  	_ =	sfence.sel $0xFFFF  }
0xbf: {  	[dreg:$0x0] =	wrdreg $0xFFFFFFFF;
	(pc) =	sbr.abs _section_cstart, $3  }
0xc0: {  	[dreg:$0x1] =	wrdreg $0xFFFFFFFF  }
0xc1: {  	_ =	task.clear_ibuf [dreg:s7], $0x2FFFF;
	_ =	strace $0x9FFFFFFF  }
0xc2: {  	(tm) =	ssettm $0x7FFFFFFF  }
0xc3: {  	_ =	shalt  }
tec
execute0_lowered:
.L_overlay_start_1:
0x0: {  	(tag) =	ssettag $0x1  }
0x1: {  	s0 =	rddreg [dreg:$0x0]  }
0x2: {  	s2 =	rddreg [dreg:$0x1];
	s1 =	simm.s32 $0x0;
	s4 =	srdreg.scid  }
0x3: {  	s6 =	stileid.u32;
	s16 =	simm.s32 $0x2;
	s17 =	simm.s32 $0xA900  }
0x4: {  	s18 =	simm.s32 $0xB900;
	s13 =	simm.s32 $0xC100;
	s19 =	simm.s32 $0xC900  }
0x5: {  	s14 =	simm.s32 $0xD100;
	s15 =	simm.s32 $0xE100;
	s28 =	simm.s32 $0x11100  }
0x6: {  	s29 =	simm.s32 $0x0;
	[smem:$0x7FF] =	sst s1;
	s3 =	sadd.s32 $0x8C00, s0  }
0x7: {  	s4 =	sand.u32 $0x1, s4;
	s5 =	sadd.s32 $0x8A00, s0;
	s6 =	sshll.u32 s6, $0x7  }
0x8: {  	s10 =	sadd.s32 $0x8800, s0;
	s11 =	sadd.s32 $0x600, s0;
	s7 =	sshll.u32 s4, $0x6  }
0x9: {  	s9 =	sadd.s32 $0x8F00, s0;
	s4 =	ssub.s32 $0x2, s4;
	s6 =	sor.u32 s7, s6  }
0xa: {  	_ =	strace $0x8000004A;
	s20 =	sshrl.u32 s4, $0x1;
	s8 =	sshrl.u32 s6, $0x3  }
0xb: {  	s4 =	ssub.s32 s4, s20;
	s22 =	sshll.u32 s6, $0x4;
	s12 =	sshll.u32 s6, $0x7  }
0xc: {  	s6 =	sor.u32 $0x20, s6;
	s20 =	simm.s32 $0xD900;
	s21 =	sadd.s32 s5, s8  }
0xd: {  	s8 =	sadd.s32 s10, s8;
	s7 =	sadd.s32 s11, s22;
	s23 =	sadd.s32 s2, s12  }
0xe: {  	s24 =	sshrl.u32 s6, $0x3;
	s25 =	sshll.u32 s6, $0x4;
	[dreg:$0x3] =	wrdreg s21  }
0xf: {  	s6 =	sshll.u32 s6, $0x7;
	s31 =	smax.u32 s4, $0x1;
	[dreg:$0x4] =	wrdreg s8  }
0x10: {  	s12 =	simm.s32 $0xB100;
	s22 =	simm.s32 $0xF100;
	[dreg:$0x5] =	wrdreg s7  }
0x11: {  	s7 =	sadd.s32 $0x8D00, s0;
	s8 =	sadd.s32 $0x8E00, s0;
	[dreg:$0x6] =	wrdreg s23  }
0x12: {  	s5 =	sadd.s32 s5, s24;
	s0 =	sadd.s32 s10, s24;
	[dreg:$0xb] =	wrdreg s31  }
0x13: {  	s26 =	sadd.s32 s11, s25;
	s30 =	sadd.s32 s2, s6;
	[dreg:$0x7] =	wrdreg s5  }
0x14: {  	v2 =	vlaneseq.u32;
	s11 =	simm.s32 $0x80;
	s21 =	simm.s32 $0xE900;
	[dreg:$0x8] =	wrdreg s0  }
0x15: {  	vm0 =	vmmov $0xffff;
	v1 =	vshrl.u32 v2, $0x3;
	s23 =	simm.s32 $0xF900;
	s24 =	simm.s32 $0x10100;
	[dreg:$0x9] =	wrdreg s26  }
0x16: {  	v0 =	vand.u32 $0x7, v2;
	v2 =	vor.u32 $0x8, v2;
	v1 =	vmul.u32 $0x8, v1;
	s25 =	simm.s32 $0x10900;
	[dreg:$0xa] =	wrdreg s30;
	s26 =	simm.s32 $0x1  }
.LBB2_1:
0x17: {  	s0 =	rddreg [dreg:$0x3]  }
0x18: {  	[tilespmem:s1], [sflag:$0x2] =	stream.linear.gather [hbm4b:s0+s1], $0x20, $0x38;
	[tilespmem:$0x19100] =	vst v63  }
0x19: {  	_ =	swait.ge [sflag:s16], $0x20  }
0x1a: {  	[sflag:s16] =	ssyncset.done $0x0  }
0x1b: {  	s6 =	rddreg [dreg:$0x4];
	[sflag:s16] =	ssyncadd.s32 $0xFFFFFFE0  }
0x1c: {  	[tilespmem:s11], [sflag:$0x2] =	stream.linear.gather [hbm4b:s6+s1], $0x20, $0x38;
	[tilespmem:$0x19100] =	vst v63  }
0x1d: {  	_ =	swait.ge [sflag:s16], $0x20  }
0x1e: {  	[sflag:s16] =	ssyncset.done $0x0  }
0x1f: {  	s2 =	simm.s32 $0x100;
	s10 =	rddreg [dreg:$0x5];
	[sflag:s16] =	ssyncadd.s32 $0xFFFFFFE0  }
0x20: {  	[tilespmem:s2], [sflag:$0x2] =	stream.linear.gather [hbm4b:s10+s1], $0x1000, $0x38;
	[tilespmem:$0x19100] =	vst v63  }
0x21: {  	_ =	swait.ge [sflag:s16], $0x1000  }
0x22: {  	[sflag:s16] =	ssyncset.done $0x0  }
0x23: {  	[sflag:s16] =	ssyncadd.s32 $0xFFFFF000  }
0x24: {  	v3 =	vld [tilespmem:$0x0];
	_ =	sdelay $0x4  }
0x25: {  	v4 =	vshll.u32 v3, $0x3  }
0x26: {  	v3 =	vand.u32 $0x7, v3;
	v4 =	vand.u32 $0xFFFFFFC0, v4  }
0x27: {  	v3 =	vor.u32 v3, v4  }
0x28: {  	v4 =	vperm.xlane v3, v0;
	_ =	sdelay $0x1  }
0x29: {  	v4 =	vadd.s32 v1, v4;
	_ =	sdelay $0x3  }
0x2a: {  	s31 =	simm.s32 $0x1100  }
0x2b: {  	[tilespmem:s31], [sflag:$0x1] =	stream.indirect_vreg.gather [hbm4b:s3+s1], $0x80, v4, vm0, $0xb8;
	[tilespmem:$0x19100] =	vst v63  }
0x2c: {  	s2 =	simm.s32 $0x1900;
	v3 =	vperm.xlane v3, v2  }
0x2d: {  	[tilespmem:s2], [sflag:$0x1] =	stream.indirect_vreg.gather [hbm4b:s7+s1], $0x80, v4, vm0, $0xb8;
	[tilespmem:$0x19100] =	vst v63  }
0x2e: {  	s4 =	simm.s32 $0x2100;
	v3 =	vadd.s32 v1, v3  }
0x2f: {  	[tilespmem:s4], [sflag:$0x1] =	stream.indirect_vreg.gather [hbm4b:s8+s1], $0x80, v4, vm0, $0xb8;
	[tilespmem:$0x19100] =	vst v63  }
0x30: {  	s5 =	simm.s32 $0x2900  }
0x31: {  	[tilespmem:s5], [sflag:$0x1] =	stream.indirect_vreg.gather [hbm4b:s9+s1], $0x80, v4, vm0, $0xb8;
	[tilespmem:$0x19100] =	vst v63  }
0x32: {  	s6 =	simm.s32 $0x3100  }
0x33: {  	[tilespmem:s6], [sflag:$0x1] =	stream.indirect_vreg.gather [hbm4b:s3+s1], $0x80, v3, vm0, $0xb8;
	[tilespmem:$0x19100] =	vst v63  }
0x34: {  	s10 =	simm.s32 $0x3900  }
0x35: {  	[tilespmem:s10], [sflag:$0x1] =	stream.indirect_vreg.gather [hbm4b:s7+s1], $0x80, v3, vm0, $0xb8;
	[tilespmem:$0x19100] =	vst v63  }
0x36: {  	s31 =	simm.s32 $0x4100  }
0x37: {  	[tilespmem:s31], [sflag:$0x1] =	stream.indirect_vreg.gather [hbm4b:s8+s1], $0x80, v3, vm0, $0xb8;
	[tilespmem:$0x19100] =	vst v63  }
0x38: {  	s2 =	simm.s32 $0x4900  }
0x39: {  	[tilespmem:s2], [sflag:$0x1] =	stream.indirect_vreg.gather [hbm4b:s9+s1], $0x80, v3, vm0, $0xb8;
	[tilespmem:$0x19100] =	vst v63  }
0x3a: {  	v3 =	vld [tilespmem:$0x10];
	_ =	sdelay $0x4  }
0x3b: {  	v61 =	vshll.u32 v3, $0x3  }
0x3c: {  	v3 =	vand.u32 $0x7, v3;
	v4 =	vand.u32 $0xFFFFFFC0, v61  }
0x3d: {  	v3 =	vor.u32 v3, v4  }
0x3e: {  	v4 =	vperm.xlane v3, v0;
	_ =	sdelay $0x1  }
0x3f: {  	v4 =	vadd.s32 v1, v4;
	_ =	sdelay $0x3  }
0x40: {  	s4 =	simm.s32 $0x5100  }
0x41: {  	[tilespmem:s4], [sflag:$0x1] =	stream.indirect_vreg.gather [hbm4b:s3+s1], $0x80, v4, vm0, $0xb8;
	[tilespmem:$0x19100] =	vst v63  }
0x42: {  	s5 =	simm.s32 $0x5900;
	v3 =	vperm.xlane v3, v2  }
0x43: {  	[tilespmem:s5], [sflag:$0x1] =	stream.indirect_vreg.gather [hbm4b:s7+s1], $0x80, v4, vm0, $0xb8;
	[tilespmem:$0x19100] =	vst v63  }
0x44: {  	s6 =	simm.s32 $0x6100;
	v3 =	vadd.s32 v1, v3  }
0x45: {  	[tilespmem:s6], [sflag:$0x1] =	stream.indirect_vreg.gather [hbm4b:s8+s1], $0x80, v4, vm0, $0xb8;
	[tilespmem:$0x19100] =	vst v63  }
0x46: {  	s10 =	simm.s32 $0x6900  }
0x47: {  	[tilespmem:s10], [sflag:$0x1] =	stream.indirect_vreg.gather [hbm4b:s9+s1], $0x80, v4, vm0, $0xb8;
	[tilespmem:$0x19100] =	vst v63  }
0x48: {  	s31 =	simm.s32 $0x7100  }
0x49: {  	[tilespmem:s31], [sflag:$0x1] =	stream.indirect_vreg.gather [hbm4b:s3+s1], $0x80, v3, vm0, $0xb8;
	[tilespmem:$0x19100] =	vst v63  }
0x4a: {  	s2 =	simm.s32 $0x7900  }
0x4b: {  	[tilespmem:s2], [sflag:$0x1] =	stream.indirect_vreg.gather [hbm4b:s7+s1], $0x80, v3, vm0, $0xb8;
	[tilespmem:$0x19100] =	vst v63  }
0x4c: {  	s4 =	simm.s32 $0x8100  }
0x4d: {  	[tilespmem:s4], [sflag:$0x1] =	stream.indirect_vreg.gather [hbm4b:s8+s1], $0x80, v3, vm0, $0xb8;
	[tilespmem:$0x19100] =	vst v63  }
0x4e: {  	s5 =	simm.s32 $0x8900  }
0x4f: {  	[tilespmem:s5], [sflag:$0x1] =	stream.indirect_vreg.gather [hbm4b:s9+s1], $0x80, v3, vm0, $0xb8;
	[tilespmem:$0x19100] =	vst v63  }
0x50: {  	v3 =	vld [tilespmem:$0x80];
	_ =	sdelay $0x4  }
0x51: {  	v62 =	vshll.u32 v3, $0x3  }
0x52: {  	v3 =	vand.u32 $0x7, v3;
	v4 =	vand.u32 $0xFFFFFFC0, v62  }
0x53: {  	v3 =	vor.u32 v3, v4  }
0x54: {  	v4 =	vperm.xlane v3, v0;
	_ =	sdelay $0x1  }
0x55: {  	v4 =	vadd.s32 v1, v4;
	_ =	sdelay $0x3  }
0x56: {  	s6 =	simm.s32 $0x9100  }
0x57: {  	[tilespmem:s6], [sflag:$0x1] =	stream.indirect_vreg.gather [hbm4b:s3+s1], $0x80, v4, vm0, $0xb8;
	[tilespmem:$0x19100] =	vst v63  }
0x58: {  	s10 =	simm.s32 $0x9900;
	v3 =	vperm.xlane v3, v2  }
0x59: {  	[tilespmem:s10], [sflag:$0x1] =	stream.indirect_vreg.gather [hbm4b:s7+s1], $0x80, v4, vm0, $0xb8;
	[tilespmem:$0x19100] =	vst v63  }
0x5a: {  	s31 =	simm.s32 $0xA100;
	v3 =	vadd.s32 v1, v3  }
0x5b: {  	[tilespmem:s31], [sflag:$0x1] =	stream.indirect_vreg.gather [hbm4b:s8+s1], $0x80, v4, vm0, $0xb8;
	[tilespmem:$0x19100] =	vst v63  }
0x5c: {  	_ = 	snop  }
0x5d: {  	[tilespmem:s17], [sflag:$0x1] =	stream.indirect_vreg.gather [hbm4b:s9+s1], $0x80, v4, vm0, $0xb8;
	[tilespmem:$0x19100] =	vst v63  }
0x5e: {  	_ = 	snop  }
0x5f: {  	[tilespmem:s12], [sflag:$0x1] =	stream.indirect_vreg.gather [hbm4b:s3+s1], $0x80, v3, vm0, $0xb8;
	[tilespmem:$0x19100] =	vst v63  }
0x60: {  	_ = 	snop  }
0x61: {  	[tilespmem:s18], [sflag:$0x1] =	stream.indirect_vreg.gather [hbm4b:s7+s1], $0x80, v3, vm0, $0xb8;
	[tilespmem:$0x19100] =	vst v63  }
0x62: {  	_ = 	snop  }
0x63: {  	[tilespmem:s13], [sflag:$0x1] =	stream.indirect_vreg.gather [hbm4b:s8+s1], $0x80, v3, vm0, $0xb8;
	[tilespmem:$0x19100] =	vst v63  }
0x64: {  	_ = 	snop  }
0x65: {  	[tilespmem:s19], [sflag:$0x1] =	stream.indirect_vreg.gather [hbm4b:s9+s1], $0x80, v3, vm0, $0xb8;
	[tilespmem:$0x19100] =	vst v63  }
0x66: {  	v3 =	vld [tilespmem:$0x90];
	_ =	sdelay $0x4  }
0x67: {  	v63 =	vshll.u32 v3, $0x3  }
0x68: {  	v3 =	vand.u32 $0x7, v3;
	v4 =	vand.u32 $0xFFFFFFC0, v63  }
0x69: {  	v3 =	vor.u32 v3, v4  }
0x6a: {  	v4 =	vperm.xlane v3, v0;
	_ =	sdelay $0x1  }
0x6b: {  	v4 =	vadd.s32 v1, v4;
	_ =	sdelay $0x4  }
0x6c: {  	[tilespmem:s14], [sflag:$0x1] =	stream.indirect_vreg.gather [hbm4b:s3+s1], $0x80, v4, vm0, $0xb8;
	[tilespmem:$0x19100] =	vst v63  }
0x6d: {  	v3 =	vperm.xlane v3, v2  }
0x6e: {  	[tilespmem:s20], [sflag:$0x1] =	stream.indirect_vreg.gather [hbm4b:s7+s1], $0x80, v4, vm0, $0xb8;
	[tilespmem:$0x19100] =	vst v63  }
0x6f: {  	v3 =	vadd.s32 v1, v3  }
0x70: {  	[tilespmem:s15], [sflag:$0x1] =	stream.indirect_vreg.gather [hbm4b:s8+s1], $0x80, v4, vm0, $0xb8;
	[tilespmem:$0x19100] =	vst v63  }
0x71: {  	_ = 	snop  }
0x72: {  	[tilespmem:s21], [sflag:$0x1] =	stream.indirect_vreg.gather [hbm4b:s9+s1], $0x80, v4, vm0, $0xb8;
	[tilespmem:$0x19100] =	vst v63  }
0x73: {  	_ = 	snop  }
0x74: {  	[tilespmem:s22], [sflag:$0x1] =	stream.indirect_vreg.gather [hbm4b:s3+s1], $0x80, v3, vm0, $0xb8;
	[tilespmem:$0x19100] =	vst v63  }
0x75: {  	_ = 	snop  }
0x76: {  	[tilespmem:s23], [sflag:$0x1] =	stream.indirect_vreg.gather [hbm4b:s7+s1], $0x80, v3, vm0, $0xb8;
	[tilespmem:$0x19100] =	vst v63  }
0x77: {  	_ = 	snop  }
0x78: {  	[tilespmem:s24], [sflag:$0x1] =	stream.indirect_vreg.gather [hbm4b:s8+s1], $0x80, v3, vm0, $0xb8;
	[tilespmem:$0x19100] =	vst v63  }
0x79: {  	_ = 	snop  }
0x7a: {  	[tilespmem:s25], [sflag:$0x1] =	stream.indirect_vreg.gather [hbm4b:s9+s1], $0x80, v3, vm0, $0xb8;
	[tilespmem:$0x19100] =	vst v63  }
0x7b: {  	_ =	swait.ge [sflag:s26], $0x8000  }
0x7c: {  	[sflag:s26] =	ssyncset.done $0x0  }
0x7d: {  	[sflag:s26] =	ssyncadd.s32 $0xFFFF8000  }
0x7e: {  	_ =	swait.ge [sflag:s26], $0x8000  }
0x7f: {  	[sflag:s26] =	ssyncset.done $0x0  }
0x80: {  	s30 =	simm.s32 $0x0;
	[sflag:s26] =	ssyncadd.s32 $0xFFFF8000  }
.LBB2_2:
0x81: {  	s0 =	sshll.u32 s30, $0x7;
	s2 =	sshll.u32 s30, $0xA  }
0x82: {  	s5 =	simm.s32 $0x0;
	s2 =	sand.u32 $0x6000, s2;
	s4 =	sand.u32 $0x380, s0  }
0x83: {  	s31 =	sor.u32 s2, s4;
	s4 =	sand.u32 $0x1C00, s5  }
0x84: {  	v3 =	vld [tilespmem:s0+$0x100];
	s5 =	sand.u32 $0x70, s5;
	s2 =	sor.u32 s4, s31  }
0x85: {  	v4 =	vld [tilespmem:s0+$0x110];
	s0 =	sor.u32 s5, s2  }
0x86: {  	v5 =	vld [tilespmem:s0+$0x1100]  }
0x87: {  	v6 =	vld [tilespmem:s0+$0x9100]  }
0x88: {  	s6 =	simm.s32 $0x80  }
0x89: {  	s10 =	simm.s32 $0x10;
	s2 =	sand.u32 $0x1C00, s6  }
0x8a: {  	s4 =	sand.u32 $0x70, s10;
	s2 =	sor.u32 s2, s31  }
0x8b: {  	s2 =	sor.u32 s4, s2  }
0x8c: {  	v7 =	vmul.f32 v5, v3;
	v8 =	vmul.f32 v6, v4;
	v5 =	vld [tilespmem:s2+$0x1100]  }
0x8d: {  	v6 =	vld [tilespmem:s2+$0x9100]  }
0x8e: {  	s5 =	simm.s32 $0x100;
	s4 =	simm.s32 $0x20;
	v7 =	vadd.f32 v8, v7  }
.LBB2_3:
0x8f: {  	s6 =	sand.u32 $0x70, s4;
	s10 =	sand.u32 $0x1C00, s5;
	p0 =	sne.s32 s4, $0x3F0  }
.Ltmp0:
0x90: {  	s4 =	sadd.s32 $0x10, s4;
	s10 =	sor.u32 s10, s31;
	[tilespmem:s0+$0x11100] =	vst v7;
	(pc) =	sbr.rel @p0 .LBB2_3-.Ltmp0, $4  }
0x91: {  	s0 =	smov.u32 s2;
	s2 =	sor.u32 s6, s10  }
0x92: {  	v7 =	vmul.f32 v5, v3;
	v5 =	vld [tilespmem:s2+$0x1100];
	v8 =	vmul.f32 v6, v4  }
0x93: {  	v6 =	vld [tilespmem:s2+$0x9100]  }
0x94: {  	s5 =	sadd.s32 $0x80, s5;
	v7 =	vadd.f32 v8, v7  }
0x95: {  	_ = 	snop  }
0x96: {  	s30 =	sadd.s32 $0x1, s30  }
0x97: {  	p0 =	sne.s32 s30, $0x20  }
.Ltmp1:
0x98: {  	v3 =	vmul.f32 v5, v3;
	v4 =	vmul.f32 v6, v4;
	(pc) =	sbr.rel @p0 .LBB2_2-.Ltmp1, $4  }
0x99: {  	_ = 	snop  }
0x9a: {  	v3 =	vadd.f32 v4, v3  }
0x9b: {  	[tilespmem:s0+$0x11100] =	vst v7  }
0x9c: {  	[tilespmem:s2+$0x11100] =	vst v3  }
0x9d: {  	s30 =	simm.s32 $0x0;
	s0 =	rddreg [dreg:$0x6]  }
0x9e: {  	[hbm4b:s0+s30] =	stream.linear.scatter [tilespmem:s28], [sflag:$0x2], $0x8000, $0x38;
	[tilespmem:$0x19100] =	vst v63  }
0x9f: {  	_ =	swait.ge [sflag:s16], $0x8000  }
0xa0: {  	[sflag:s16] =	ssyncset.done $0x0  }
0xa1: {  	s5 =	rddreg [dreg:$0x7];
	[sflag:s16] =	ssyncadd.s32 $0xFFFF8000  }
0xa2: {  	[tilespmem:s30], [sflag:$0x2] =	stream.linear.gather [hbm4b:s5+s30], $0x20, $0x38;
	[tilespmem:$0x19100] =	vst v63  }
0xa3: {  	_ =	swait.ge [sflag:s16], $0x20  }
0xa4: {  	[sflag:s16] =	ssyncset.done $0x0  }
0xa5: {  	s6 =	rddreg [dreg:$0x8];
	[sflag:s16] =	ssyncadd.s32 $0xFFFFFFE0  }
0xa6: {  	[tilespmem:s11], [sflag:$0x2] =	stream.linear.gather [hbm4b:s6+s30], $0x20, $0x38;
	[tilespmem:$0x19100] =	vst v63  }
0xa7: {  	_ =	swait.ge [sflag:s16], $0x20  }
0xa8: {  	[sflag:s16] =	ssyncset.done $0x0  }
0xa9: {  	s2 =	simm.s32 $0x100;
	s10 =	rddreg [dreg:$0x9];
	[sflag:s16] =	ssyncadd.s32 $0xFFFFFFE0  }
0xaa: {  	[tilespmem:s2], [sflag:$0x2] =	stream.linear.gather [hbm4b:s10+s30], $0x1000, $0x38;
	[tilespmem:$0x19100] =	vst v63  }
0xab: {  	_ =	swait.ge [sflag:s16], $0x1000  }
0xac: {  	[sflag:s16] =	ssyncset.done $0x0  }
0xad: {  	[sflag:s16] =	ssyncadd.s32 $0xFFFFF000  }
0xae: {  	v3 =	vld [tilespmem:$0x0];
	_ =	sdelay $0x4  }
0xaf: {  	v4 =	vshll.u32 v3, $0x3  }
0xb0: {  	v3 =	vand.u32 $0x7, v3;
	v4 =	vand.u32 $0xFFFFFFC0, v4  }
0xb1: {  	v3 =	vor.u32 v3, v4  }
0xb2: {  	v4 =	vperm.xlane v3, v0;
	_ =	sdelay $0x1  }
0xb3: {  	v4 =	vadd.s32 v1, v4;
	_ =	sdelay $0x3  }
0xb4: {  	s11 =	simm.s32 $0x1100  }
0xb5: {  	[tilespmem:s11], [sflag:$0x1] =	stream.indirect_vreg.gather [hbm4b:s3+s30], $0x80, v4, vm0, $0xb8;
	[tilespmem:$0x19100] =	vst v63  }
0xb6: {  	s2 =	simm.s32 $0x1900;
	v3 =	vperm.xlane v3, v2  }
0xb7: {  	[tilespmem:s2], [sflag:$0x1] =	stream.indirect_vreg.gather [hbm4b:s7+s30], $0x80, v4, vm0, $0xb8;
	[tilespmem:$0x19100] =	vst v63  }
0xb8: {  	s4 =	simm.s32 $0x2100;
	v3 =	vadd.s32 v1, v3  }
0xb9: {  	[tilespmem:s4], [sflag:$0x1] =	stream.indirect_vreg.gather [hbm4b:s8+s30], $0x80, v4, vm0, $0xb8;
	[tilespmem:$0x19100] =	vst v63  }
0xba: {  	s5 =	simm.s32 $0x2900  }
0xbb: {  	[tilespmem:s5], [sflag:$0x1] =	stream.indirect_vreg.gather [hbm4b:s9+s30], $0x80, v4, vm0, $0xb8;
	[tilespmem:$0x19100] =	vst v63  }
0xbc: {  	s6 =	simm.s32 $0x3100  }
0xbd: {  	[tilespmem:s6], [sflag:$0x1] =	stream.indirect_vreg.gather [hbm4b:s3+s30], $0x80, v3, vm0, $0xb8;
	[tilespmem:$0x19100] =	vst v63  }
0xbe: {  	s10 =	simm.s32 $0x3900  }
0xbf: {  	[tilespmem:s10], [sflag:$0x1] =	stream.indirect_vreg.gather [hbm4b:s7+s30], $0x80, v3, vm0, $0xb8;
	[tilespmem:$0x19100] =	vst v63  }
0xc0: {  	s11 =	simm.s32 $0x4100  }
0xc1: {  	[tilespmem:s11], [sflag:$0x1] =	stream.indirect_vreg.gather [hbm4b:s8+s30], $0x80, v3, vm0, $0xb8;
	[tilespmem:$0x19100] =	vst v63  }
0xc2: {  	s2 =	simm.s32 $0x4900  }
0xc3: {  	[tilespmem:s2], [sflag:$0x1] =	stream.indirect_vreg.gather [hbm4b:s9+s30], $0x80, v3, vm0, $0xb8;
	[tilespmem:$0x19100] =	vst v63  }
0xc4: {  	v3 =	vld [tilespmem:$0x10];
	_ =	sdelay $0x4  }
0xc5: {  	v61 =	vshll.u32 v3, $0x3  }
0xc6: {  	v3 =	vand.u32 $0x7, v3;
	v4 =	vand.u32 $0xFFFFFFC0, v61  }
0xc7: {  	v3 =	vor.u32 v3, v4  }
0xc8: {  	v4 =	vperm.xlane v3, v0;
	_ =	sdelay $0x1  }
0xc9: {  	v4 =	vadd.s32 v1, v4;
	_ =	sdelay $0x3  }
0xca: {  	s4 =	simm.s32 $0x5100  }
0xcb: {  	[tilespmem:s4], [sflag:$0x1] =	stream.indirect_vreg.gather [hbm4b:s3+s30], $0x80, v4, vm0, $0xb8;
	[tilespmem:$0x19100] =	vst v63  }
0xcc: {  	s5 =	simm.s32 $0x5900;
	v3 =	vperm.xlane v3, v2  }
0xcd: {  	[tilespmem:s5], [sflag:$0x1] =	stream.indirect_vreg.gather [hbm4b:s7+s30], $0x80, v4, vm0, $0xb8;
	[tilespmem:$0x19100] =	vst v63  }
0xce: {  	s6 =	simm.s32 $0x6100;
	v3 =	vadd.s32 v1, v3  }
0xcf: {  	[tilespmem:s6], [sflag:$0x1] =	stream.indirect_vreg.gather [hbm4b:s8+s30], $0x80, v4, vm0, $0xb8;
	[tilespmem:$0x19100] =	vst v63  }
0xd0: {  	s10 =	simm.s32 $0x6900  }
0xd1: {  	[tilespmem:s10], [sflag:$0x1] =	stream.indirect_vreg.gather [hbm4b:s9+s30], $0x80, v4, vm0, $0xb8;
	[tilespmem:$0x19100] =	vst v63  }
0xd2: {  	s11 =	simm.s32 $0x7100  }
0xd3: {  	[tilespmem:s11], [sflag:$0x1] =	stream.indirect_vreg.gather [hbm4b:s3+s30], $0x80, v3, vm0, $0xb8;
	[tilespmem:$0x19100] =	vst v63  }
0xd4: {  	s2 =	simm.s32 $0x7900  }
0xd5: {  	[tilespmem:s2], [sflag:$0x1] =	stream.indirect_vreg.gather [hbm4b:s7+s30], $0x80, v3, vm0, $0xb8;
	[tilespmem:$0x19100] =	vst v63  }
0xd6: {  	s4 =	simm.s32 $0x8100  }
0xd7: {  	[tilespmem:s4], [sflag:$0x1] =	stream.indirect_vreg.gather [hbm4b:s8+s30], $0x80, v3, vm0, $0xb8;
	[tilespmem:$0x19100] =	vst v63  }
0xd8: {  	s5 =	simm.s32 $0x8900  }
0xd9: {  	[tilespmem:s5], [sflag:$0x1] =	stream.indirect_vreg.gather [hbm4b:s9+s30], $0x80, v3, vm0, $0xb8;
	[tilespmem:$0x19100] =	vst v63  }
0xda: {  	v3 =	vld [tilespmem:$0x80];
	_ =	sdelay $0x4  }
0xdb: {  	v62 =	vshll.u32 v3, $0x3  }
0xdc: {  	v3 =	vand.u32 $0x7, v3;
	v4 =	vand.u32 $0xFFFFFFC0, v62  }
0xdd: {  	v3 =	vor.u32 v3, v4  }
0xde: {  	v4 =	vperm.xlane v3, v0;
	_ =	sdelay $0x1  }
0xdf: {  	v4 =	vadd.s32 v1, v4;
	_ =	sdelay $0x3  }
0xe0: {  	s6 =	simm.s32 $0x9100  }
0xe1: {  	[tilespmem:s6], [sflag:$0x1] =	stream.indirect_vreg.gather [hbm4b:s3+s30], $0x80, v4, vm0, $0xb8;
	[tilespmem:$0x19100] =	vst v63  }
0xe2: {  	s10 =	simm.s32 $0x9900;
	v3 =	vperm.xlane v3, v2  }
0xe3: {  	[tilespmem:s10], [sflag:$0x1] =	stream.indirect_vreg.gather [hbm4b:s7+s30], $0x80, v4, vm0, $0xb8;
	[tilespmem:$0x19100] =	vst v63  }
0xe4: {  	s11 =	simm.s32 $0xA100;
	v3 =	vadd.s32 v1, v3  }
0xe5: {  	[tilespmem:s11], [sflag:$0x1] =	stream.indirect_vreg.gather [hbm4b:s8+s30], $0x80, v4, vm0, $0xb8;
	[tilespmem:$0x19100] =	vst v63  }
0xe6: {  	_ = 	snop  }
0xe7: {  	[tilespmem:s17], [sflag:$0x1] =	stream.indirect_vreg.gather [hbm4b:s9+s30], $0x80, v4, vm0, $0xb8;
	[tilespmem:$0x19100] =	vst v63  }
0xe8: {  	_ = 	snop  }
0xe9: {  	[tilespmem:s12], [sflag:$0x1] =	stream.indirect_vreg.gather [hbm4b:s3+s30], $0x80, v3, vm0, $0xb8;
	[tilespmem:$0x19100] =	vst v63  }
0xea: {  	_ = 	snop  }
0xeb: {  	[tilespmem:s18], [sflag:$0x1] =	stream.indirect_vreg.gather [hbm4b:s7+s30], $0x80, v3, vm0, $0xb8;
	[tilespmem:$0x19100] =	vst v63  }
0xec: {  	_ = 	snop  }
0xed: {  	[tilespmem:s13], [sflag:$0x1] =	stream.indirect_vreg.gather [hbm4b:s8+s30], $0x80, v3, vm0, $0xb8;
	[tilespmem:$0x19100] =	vst v63  }
0xee: {  	_ = 	snop  }
0xef: {  	[tilespmem:s19], [sflag:$0x1] =	stream.indirect_vreg.gather [hbm4b:s9+s30], $0x80, v3, vm0, $0xb8;
	[tilespmem:$0x19100] =	vst v63  }
0xf0: {  	v3 =	vld [tilespmem:$0x90];
	_ =	sdelay $0x4  }
0xf1: {  	v63 =	vshll.u32 v3, $0x3  }
0xf2: {  	v3 =	vand.u32 $0x7, v3;
	v4 =	vand.u32 $0xFFFFFFC0, v63  }
0xf3: {  	v3 =	vor.u32 v3, v4  }
0xf4: {  	v4 =	vperm.xlane v3, v0;
	_ =	sdelay $0x1  }
0xf5: {  	v4 =	vadd.s32 v1, v4;
	_ =	sdelay $0x4  }
0xf6: {  	[tilespmem:s14], [sflag:$0x1] =	stream.indirect_vreg.gather [hbm4b:s3+s30], $0x80, v4, vm0, $0xb8;
	[tilespmem:$0x19100] =	vst v63  }
0xf7: {  	v3 =	vperm.xlane v3, v2  }
0xf8: {  	[tilespmem:s20], [sflag:$0x1] =	stream.indirect_vreg.gather [hbm4b:s7+s30], $0x80, v4, vm0, $0xb8;
	[tilespmem:$0x19100] =	vst v63  }
0xf9: {  	v3 =	vadd.s32 v1, v3  }
0xfa: {  	[tilespmem:s15], [sflag:$0x1] =	stream.indirect_vreg.gather [hbm4b:s8+s30], $0x80, v4, vm0, $0xb8;
	[tilespmem:$0x19100] =	vst v63  }
0xfb: {  	_ = 	snop  }
0xfc: {  	[tilespmem:s21], [sflag:$0x1] =	stream.indirect_vreg.gather [hbm4b:s9+s30], $0x80, v4, vm0, $0xb8;
	[tilespmem:$0x19100] =	vst v63  }
0xfd: {  	_ = 	snop  }
0xfe: {  	[tilespmem:s22], [sflag:$0x1] =	stream.indirect_vreg.gather [hbm4b:s3+s30], $0x80, v3, vm0, $0xb8;
	[tilespmem:$0x19100] =	vst v63  }
0xff: {  	_ = 	snop  }
0x100: {  	[tilespmem:s23], [sflag:$0x1] =	stream.indirect_vreg.gather [hbm4b:s7+s30], $0x80, v3, vm0, $0xb8;
	[tilespmem:$0x19100] =	vst v63  }
0x101: {  	_ = 	snop  }
0x102: {  	[tilespmem:s24], [sflag:$0x1] =	stream.indirect_vreg.gather [hbm4b:s8+s30], $0x80, v3, vm0, $0xb8;
	[tilespmem:$0x19100] =	vst v63  }
0x103: {  	_ = 	snop  }
0x104: {  	[tilespmem:s25], [sflag:$0x1] =	stream.indirect_vreg.gather [hbm4b:s9+s30], $0x80, v3, vm0, $0xb8;
	[tilespmem:$0x19100] =	vst v63  }
0x105: {  	_ =	swait.ge [sflag:s26], $0x8000  }
0x106: {  	[sflag:s26] =	ssyncset.done $0x0  }
0x107: {  	[sflag:s26] =	ssyncadd.s32 $0xFFFF8000  }
0x108: {  	_ =	swait.ge [sflag:s26], $0x8000  }
0x109: {  	[sflag:s26] =	ssyncset.done $0x0  }
0x10a: {  	s31 =	simm.s32 $0x0;
	[sflag:s26] =	ssyncadd.s32 $0xFFFF8000  }
.LBB2_6:
0x10b: {  	s2 =	sshll.u32 s31, $0x7;
	s0 =	sshll.u32 s31, $0xA  }
0x10c: {  	s0 =	sand.u32 $0x6000, s0;
	s4 =	sand.u32 $0x380, s2  }
0x10d: {  	s6 =	sand.u32 $0x1C00, s30;
	s0 =	sor.u32 s0, s4  }
0x10e: {  	s5 =	sand.u32 $0x70, s30;
	v3 =	vld [tilespmem:s2+$0x100];
	s4 =	sor.u32 s6, s0  }
0x10f: {  	v4 =	vld [tilespmem:s2+$0x110];
	s2 =	sor.u32 s5, s4  }
0x110: {  	v5 =	vld [tilespmem:s2+$0x1100]  }
0x111: {  	v6 =	vld [tilespmem:s2+$0x9100]  }
0x112: {  	s10 =	simm.s32 $0x80  }
0x113: {  	s11 =	simm.s32 $0x10;
	s4 =	sand.u32 $0x1C00, s10  }
0x114: {  	s5 =	sand.u32 $0x70, s11;
	s4 =	sor.u32 s4, s0  }
0x115: {  	s4 =	sor.u32 s5, s4  }
0x116: {  	v7 =	vmul.f32 v5, v3;
	v8 =	vmul.f32 v6, v4;
	v5 =	vld [tilespmem:s4+$0x1100]  }
0x117: {  	v6 =	vld [tilespmem:s4+$0x9100]  }
0x118: {  	s6 =	simm.s32 $0x100;
	s5 =	simm.s32 $0x20;
	v7 =	vadd.f32 v8, v7  }
.LBB2_7:
0x119: {  	s10 =	sand.u32 $0x70, s5;
	s11 =	sand.u32 $0x1C00, s6;
	p0 =	sne.s32 s5, $0x3F0  }
.Ltmp2:
0x11a: {  	s5 =	sadd.s32 $0x10, s5;
	s11 =	sor.u32 s11, s0;
	[tilespmem:s2+$0x11100] =	vst v7;
	(pc) =	sbr.rel @p0 .LBB2_7-.Ltmp2, $4  }
0x11b: {  	s2 =	smov.u32 s4;
	s4 =	sor.u32 s10, s11  }
0x11c: {  	v7 =	vmul.f32 v5, v3;
	v5 =	vld [tilespmem:s4+$0x1100];
	v8 =	vmul.f32 v6, v4  }
0x11d: {  	v6 =	vld [tilespmem:s4+$0x9100]  }
0x11e: {  	s6 =	sadd.s32 $0x80, s6;
	v7 =	vadd.f32 v8, v7  }
0x11f: {  	_ = 	snop  }
0x120: {  	s31 =	sadd.s32 $0x1, s31  }
0x121: {  	p0 =	sne.s32 s31, $0x20  }
.Ltmp3:
0x122: {  	v3 =	vmul.f32 v5, v3;
	v4 =	vmul.f32 v6, v4;
	(pc) =	sbr.rel @p0 .LBB2_6-.Ltmp3, $4  }
0x123: {  	_ = 	snop  }
0x124: {  	v3 =	vadd.f32 v4, v3  }
0x125: {  	[tilespmem:s2+$0x11100] =	vst v7  }
0x126: {  	[tilespmem:s4+$0x11100] =	vst v3  }
0x127: {  	s0 =	rddreg [dreg:$0xa]  }
0x128: {  	[hbm4b:s0+s1] =	stream.linear.scatter [tilespmem:s28], [sflag:$0x2], $0x8000, $0x38;
	[tilespmem:$0x19100] =	vst v63  }
0x129: {  	_ =	swait.ge [sflag:s16], $0x8000  }
0x12a: {  	s29 =	sadd.s32 $0x1, s29;
	s31 =	rddreg [dreg:$0xb]  }
0x12b: {  	p0 =	sne.s32 s29, s31  }
.Ltmp4:
0x12c: {  	_ = 	snop;
	(pc) =	sbr.rel @p0 .LBB2_1-.Ltmp4, $3  }
0x12d: {  	_ =	sdelay $0x1  }
0x12e: {  	[sflag:s16] =	ssyncset.done $0x0  }
0x12f: {  	s11 =	simm.s32 $0x80;
	[sflag:s16] =	ssyncadd.s32 $0xFFFF8000  }
0x130: {  	_ =	sfence.sel $0x180000  }
0x131: {  	[bflag:$0x0] =	sbarrier.arrive $0xFFFF  }
0x132: {  	_ =	strace $0x9000004A  }
0x133: {  	s0 =	stileid.u32;
	[bflag:$0x2] =	sbarrier.arrive $0xFFFF  }
0x134: {  	p0 =	sne.s32 s0, $0x0;
	s0 =	rddreg [dreg:$0x2]  }
0x135: {  	s0 =	sadd.s32 @!p0 $0x100000, s0  }
0x136: {  	[sflag:s0] =	ssyncadd.tile.s32 @!p0 $0x1;
	_ =	shalt  }
.Lfunc_end2:
_tile_overlayer_lowered:
.L_overlay_start_2:
0x137: {  	(tag) =	ssettag $0x2  }
0x138: {  	s0 =	rddreg [dreg:$0x0];
	s2 =	stileid.u32  }
0x139: {  	s1 =	rddreg [dreg:$0x1];
	p0 =	sne.s32 s2, $0x0  }
0x13a: {  	s3 =	rddreg [dreg:$0x2];
	[bflag:$0x3] =	sbarrier.arrive $0xFFFF;
	s2 =	simm.s32 @!p0 $0x1C02  }
0x13b: {  	[timem:s3], [sflag:s2] =	dma.local @!p0 [hbm:s0], s1  }
0x13c: {  	s0 =	simm.s32 @!p0 $0x2  }
0x13d: {  	_ =	swait.ge @!p0 [sflag:s0], s1  }
0x13e: {  	s1 =	ssub.s32 @!p0 $0x0, s1;
	[sflag:s0] =	ssyncset.done @!p0 $0x0  }
0x13f: {  	[sflag:s0] =	ssyncadd.s32 @!p0 s1  }
0x140: {  	[bflag:$0x3] =	sbarrier.arrive $0xFFFF  }
0x141: {  	_ =	shalt  }

</sc_bundles>
